<compile_context>
chip_gen: v7x
topology: tpu7x:2x2x1
jax: 0.10.2.dev20260603
libtpu: 0.0.44.dev20260713+nightly
codegen_flags: <defaults>
</compile_context>

<pallas_src>
import functools

import jax
import jax.numpy as jnp
from jax import lax
from jax.experimental import pallas as pl
from jax.experimental.pallas import tpu as pltpu
from jax.experimental.pallas import tpu_sc as plsc

N = 10000
E = 320000
D = 128
H = 128
O = 2

NC = 2
NS = 16
NW = NC * NS
EPW = E // NW
KE = 125
CE = EPW // KE
NPAD = 10240
DEG_SLAB = NPAD // NS
ROW_SLAB = NPAD // NS

_mesh = plsc.VectorSubcoreMesh(core_axis_name="c", subcore_axis_name="s")


@functools.partial(
    pl.kernel,
    out_type=jax.ShapeDtypeStruct((NC, NPAD), jnp.float32),
    mesh=_mesh,
    scratch_types=[
        pltpu.VMEM((CE, KE), jnp.int32),
        pltpu.VMEM((128,), jnp.float32),
        pltpu.VMEM((DEG_SLAB,), jnp.float32),
        pltpu.VMEM_SHARED((NPAD,), jnp.float32),
        pltpu.SemaphoreType.DMA,
        pltpu.SemaphoreType.DMA,
        pltpu.SemaphoreType.DMA,
    ],
)
def _deg_kernel(idx_hbm, out_hbm, idx_v, ones_v, zb_v, acc_sh,
                sem_x, sd0, sd1):
    cid = lax.axis_index("c")
    sid = lax.axis_index("s")
    wid = cid * NS + sid
    sem_d = [sd0, sd1]

    pltpu.async_copy(idx_hbm.at[1, wid], idx_v, sem_x)

    def fill_ones(i, carry):
        ones_v[pl.ds(i * 16, 16)] = jnp.ones((16,), jnp.float32)
        return carry

    lax.fori_loop(0, 128 // 16, fill_ones, 0)

    def fill_zero(i, carry):
        zb_v[pl.ds(i * 16, 16)] = jnp.zeros((16,), jnp.float32)
        return carry

    lax.fori_loop(0, DEG_SLAB // 16, fill_zero, 0)

    pltpu.sync_copy(zb_v, acc_sh.at[pl.ds(sid * DEG_SLAB, DEG_SLAB)])
    pltpu.make_async_copy(idx_hbm.at[1, wid], idx_v, sem_x).wait()
    plsc.subcore_barrier()

    def add_start(ci, u):
        pltpu.async_copy(
            ones_v.at[pl.ds(0, KE)], acc_sh.at[idx_v.at[ci]], sem_d[u],
            add=True)

    def add_wait(ci, u):
        pltpu.make_async_copy(
            ones_v.at[pl.ds(0, KE)], acc_sh.at[idx_v.at[ci]],
            sem_d[u]).wait()

    def chunk_pair(p, carry):
        for u in range(2):
            ci = 2 * p + u

            @pl.when(p > 0)
            def _():
                add_wait(ci - 2, u)

            add_start(ci, u)
        return carry

    lax.fori_loop(0, CE // 2, chunk_pair, 0)
    add_wait(CE - 2, 0)
    add_wait(CE - 1, 1)
    plsc.subcore_barrier()

    pltpu.sync_copy(
        acc_sh.at[pl.ds(sid * DEG_SLAB, DEG_SLAB)],
        out_hbm.at[cid, pl.ds(sid * DEG_SLAB, DEG_SLAB)],
    )


@functools.partial(
    pl.kernel,
    out_type=jax.ShapeDtypeStruct((NC, NPAD, H), jnp.float32),
    mesh=_mesh,
    scratch_types=[
        pltpu.VMEM((CE, KE), jnp.int32),
        pltpu.VMEM((2, KE), jnp.int32),
        pltpu.VMEM((2, KE, H), jnp.float32),
        pltpu.VMEM_SHARED((NPAD, H), jnp.float32),
        pltpu.SemaphoreType.DMA,
        pltpu.SemaphoreType.DMA,
        pltpu.SemaphoreType.DMA,
        pltpu.SemaphoreType.DMA,
        pltpu.SemaphoreType.DMA,
        pltpu.SemaphoreType.DMA,
        pltpu.SemaphoreType.DMA,
    ],
)
def _edge_kernel(hs_hbm, idx_hbm, zeros_hbm, out_hbm,
                 dst_v, src_v, rows_v, acc_sh,
                 sem_z, si0, si1, sg0, sg1, ss0, ss1):
    cid = lax.axis_index("c")
    sid = lax.axis_index("s")
    wid = cid * NS + sid
    sem_i = [si0, si1]
    sem_g = [sg0, sg1]
    sem_s = [ss0, ss1]

    def srcidx_start(ci, u):
        pltpu.async_copy(
            idx_hbm.at[0, wid, pl.ds(ci, 1)], src_v.at[pl.ds(u, 1)],
            sem_i[u])

    def srcidx_wait(ci, u):
        pltpu.make_async_copy(
            idx_hbm.at[0, wid, pl.ds(ci, 1)], src_v.at[pl.ds(u, 1)],
            sem_i[u]).wait()

    def gather_start(u):
        pltpu.async_copy(hs_hbm.at[src_v.at[u]], rows_v.at[u], sem_g[u])

    def gather_wait(u):
        pltpu.make_async_copy(
            hs_hbm.at[src_v.at[u]], rows_v.at[u], sem_g[u]).wait()

    def scatter_start(ci, u):
        pltpu.async_copy(
            rows_v.at[u], acc_sh.at[dst_v.at[ci]], sem_s[u], add=True)

    def scatter_wait(ci, u):
        pltpu.make_async_copy(
            rows_v.at[u], acc_sh.at[dst_v.at[ci]], sem_s[u]).wait()

    pltpu.async_copy(
        zeros_hbm.at[pl.ds(sid * ROW_SLAB, ROW_SLAB)],
        acc_sh.at[pl.ds(sid * ROW_SLAB, ROW_SLAB)],
        sem_z,
    )
    pltpu.sync_copy(idx_hbm.at[1, wid], dst_v)
    srcidx_start(0, 0)
    srcidx_start(1, 1)
    srcidx_wait(0, 0)
    gather_start(0)
    pltpu.make_async_copy(
        zeros_hbm.at[pl.ds(sid * ROW_SLAB, ROW_SLAB)],
        acc_sh.at[pl.ds(sid * ROW_SLAB, ROW_SLAB)],
        sem_z,
    ).wait()
    plsc.subcore_barrier()

    def pair(p, carry):
        ca = 2 * p
        gather_wait(0)

        @pl.when(ca + 2 < CE)
        def _():
            srcidx_start(ca + 2, 0)

        srcidx_wait(ca + 1, 1)

        @pl.when(p > 0)
        def _():
            scatter_wait(ca - 1, 1)

        gather_start(1)
        scatter_start(ca, 0)
        gather_wait(1)
        scatter_wait(ca, 0)

        @pl.when(ca + 2 < CE)
        def _():
            srcidx_wait(ca + 2, 0)
            gather_start(0)

        scatter_start(ca + 1, 1)

        @pl.when(ca + 3 < CE)
        def _():
            srcidx_start(ca + 3, 1)

        return carry

    lax.fori_loop(0, CE // 2, pair, 0)
    scatter_wait(CE - 1, 1)
    plsc.subcore_barrier()

    pltpu.sync_copy(
        acc_sh.at[pl.ds(sid * ROW_SLAB, ROW_SLAB)],
        out_hbm.at[cid, pl.ds(sid * ROW_SLAB, ROW_SLAB)],
    )


BN = 1000
GRID = N // BN


def _prep_body(degp_ref, x_ref, w_ref, hs_ref, dinv_ref):
    deg = degp_ref[0] + degp_ref[1] + 1.0
    dinv = lax.rsqrt(deg)
    h = jnp.dot(x_ref[...], w_ref[...], preferred_element_type=jnp.float32)
    hs_ref[...] = h * dinv
    dinv_ref[...] = dinv


def _prep(degp, x, w1):
    return pl.pallas_call(
        _prep_body,
        grid=(GRID,),
        in_specs=[
            pl.BlockSpec((NC, BN, 1), lambda i: (0, i, 0)),
            pl.BlockSpec((BN, D), lambda i: (i, 0)),
            pl.BlockSpec((D, H), lambda i: (0, 0)),
        ],
        out_specs=[
            pl.BlockSpec((BN, H), lambda i: (i, 0)),
            pl.BlockSpec((BN, 1), lambda i: (i, 0)),
        ],
        out_shape=[
            jax.ShapeDtypeStruct((N, H), jnp.float32),
            jax.ShapeDtypeStruct((N, 1), jnp.float32),
        ],
    )(degp, x, w1)


def _mid_body(accp_ref, hs_ref, dinv_ref, b_ref, w_ref, out_ref):
    dinv = dinv_ref[...]
    h = dinv * (accp_ref[0] + accp_ref[1] + hs_ref[...]) + b_ref[...]
    h = jnp.maximum(h, 0.0)
    out_ref[...] = (
        jnp.dot(h, w_ref[...], preferred_element_type=jnp.float32) * dinv
    )


def _mid(accp, hs, dinv, b1, w2):
    return pl.pallas_call(
        _mid_body,
        grid=(GRID,),
        in_specs=[
            pl.BlockSpec((NC, BN, H), lambda i: (0, i, 0)),
            pl.BlockSpec((BN, H), lambda i: (i, 0)),
            pl.BlockSpec((BN, 1), lambda i: (i, 0)),
            pl.BlockSpec((1, H), lambda i: (0, 0)),
            pl.BlockSpec((H, H), lambda i: (0, 0)),
        ],
        out_specs=pl.BlockSpec((BN, H), lambda i: (i, 0)),
        out_shape=jax.ShapeDtypeStruct((N, H), jnp.float32),
    )(accp, hs, dinv, b1, w2)


def _final_body(accp_ref, hs_ref, dinv_ref, b_ref, wfc_ref, bfc_ref,
                out_ref, gsum_ref):
    i = pl.program_id(0)
    h = dinv_ref[...] * (accp_ref[0] + accp_ref[1] + hs_ref[...]) + b_ref[...]
    h = jnp.maximum(h, 0.0)
    part = jnp.sum(h, axis=0, keepdims=True)

    @pl.when(i == 0)
    def _():
        gsum_ref[...] = part

    @pl.when(i > 0)
    def _():
        gsum_ref[...] = gsum_ref[...] + part

    @pl.when(i == pl.num_programs(0) - 1)
    def _():
        g = gsum_ref[...] * (1.0 / N)
        logits = (
            jnp.dot(g, wfc_ref[...], preferred_element_type=jnp.float32)
            + bfc_ref[...]
        )
        m = jnp.max(logits, axis=1, keepdims=True)
        z = jnp.log(jnp.sum(jnp.exp(logits - m), axis=1, keepdims=True))
        out_ref[...] = logits - m - z


def _final(accp, hs, dinv, b2, wfc, bfc):
    return pl.pallas_call(
        _final_body,
        grid=(GRID,),
        in_specs=[
            pl.BlockSpec((NC, BN, H), lambda i: (0, i, 0)),
            pl.BlockSpec((BN, H), lambda i: (i, 0)),
            pl.BlockSpec((BN, 1), lambda i: (i, 0)),
            pl.BlockSpec((1, H), lambda i: (0, 0)),
            pl.BlockSpec((H, O), lambda i: (0, 0)),
            pl.BlockSpec((1, O), lambda i: (0, 0)),
        ],
        out_specs=pl.BlockSpec((1, O), lambda i: (0, 0)),
        out_shape=jax.ShapeDtypeStruct((1, O), jnp.float32),
        scratch_shapes=[pltpu.VMEM((1, H), jnp.float32)],
    )(accp, hs, dinv, b2, wfc, bfc)


def kernel(x, edge_index, W1, b1, W2, b2, Wfc, bfc):
    ei3 = edge_index.reshape(2, NW, CE, KE)
    zeros = jnp.zeros((NPAD, H), jnp.float32)

    degp = _deg_kernel(ei3).reshape(NC, NPAD, 1)

    hs1, dinv = _prep(degp, x, W1)
    acc1 = _edge_kernel(hs1, ei3, zeros)
    hs2 = _mid(acc1, hs1, dinv, b1.reshape(1, H), W2)
    acc2 = _edge_kernel(hs2, ei3, zeros)
    return _final(acc2, hs2, dinv, b2.reshape(1, H), Wfc, bfc.reshape(1, O))

# --- scband reference (transcript-rebuilt; emitter-appended) ---
"""Pipeline reference for scband-graph-dnn-35167192220118 (READ-ONLY COPY).

The authoritative reference and input builder live on the scoring server;
editing this copy changes nothing except your own understanding.
"""

import jax, jax.numpy as jnp
import numpy as np

N, E, D, H, O = 10000, 320000, 128, 128, 2


def gcn_conv(x, edge_index, W, b):
    n = x.shape[0]
    loop = jnp.arange(n, dtype=edge_index.dtype)
    src = jnp.concatenate([edge_index[0], loop])
    dst = jnp.concatenate([edge_index[1], loop])
    deg = jnp.zeros((n,), dtype=x.dtype).at[dst].add(1.0)
    dinv = jnp.where(deg > 0, jax.lax.rsqrt(deg), 0.0)
    norm = dinv[src] * dinv[dst]
    h = x @ W
    msg = h[src] * norm[:, None]
    out = jax.ops.segment_sum(msg, dst, num_segments=n)
    return out + b


def setup_inputs(seed: int = 0) -> dict:
    key = jax.random.key(seed)
    ks = jax.random.split(key, 8)
    x = jax.random.normal(ks[0], (N, D), dtype=jnp.float32)
    edge_index = jax.random.randint(ks[1], (2, E), 0, N, dtype=jnp.int32)
    W1 = jax.random.normal(ks[2], (D, H), dtype=jnp.float32) * (1.0 / np.sqrt(D))
    b1 = jnp.zeros((H,), dtype=jnp.float32)
    W2 = jax.random.normal(ks[3], (H, H), dtype=jnp.float32) * (1.0 / np.sqrt(H))
    b2 = jnp.zeros((H,), dtype=jnp.float32)
    Wfc = jax.random.normal(ks[4], (H, O), dtype=jnp.float32) * (1.0 / np.sqrt(H))
    bfc = jnp.zeros((O,), dtype=jnp.float32)
    return {"x": x, "edge_index": edge_index, "W1": W1, "b1": b1, "W2": W2, "b2": b2, "Wfc": Wfc, "bfc": bfc}


def reference(x, edge_index, W1, b1, W2, b2, Wfc, bfc):
    h = jax.nn.relu(gcn_conv(x, edge_index, W1, b1))
    h = jax.nn.relu(gcn_conv(h, edge_index, W2, b2))
    g = jnp.mean(h, axis=0, keepdims=True)
    logits = g @ Wfc + bfc
    return jax.nn.log_softmax(logits, axis=1)

if __name__ == "__main__":
    import jax
    _d = setup_inputs()
    print(jax.jit(kernel)(*tuple(_d.values())))

</pallas_src>

<mosaic_0001>
#map = affine_map<(d0, d1) -> (0, 0, 0, 0)>
#map1 = affine_map<(d0, d1) -> (0, 0)>
module attributes {stable_mosaic.version = 14 : i64} {
  func.func @_deg_kernel(%arg0: i32, %arg1: i32, %arg2: memref<2x32x80x125xi32, #tpu.memory_space<hbm>>, %arg3: memref<2x10240xf32, #tpu.memory_space<hbm>>, %arg4: memref<80x125xi32, #tpu.memory_space<vmem>>, %arg5: memref<128xf32, #tpu.memory_space<vmem>>, %arg6: memref<640xf32, #tpu.memory_space<vmem>>, %arg7: memref<10240xf32, #tpu.memory_space<vmem_shared>>, %arg8: memref<!tpu.dma_semaphore, #tpu.memory_space<semaphore_mem>>, %arg9: memref<!tpu.dma_semaphore, #tpu.memory_space<semaphore_mem>>, %arg10: memref<!tpu.dma_semaphore, #tpu.memory_space<semaphore_mem>>) attributes {dimension_semantics = [#tpu.dimension_semantics<core_parallel>, #tpu.dimension_semantics<subcore_parallel>], iteration_bounds = array<i64: 2, 16>, scalar_prefetch = 0 : i64, scratch_operands = 7 : i64, tpu.core_type = #tpu.core_type<sc_vector_subcore>, window_params = [{transform_indices = #map}, {transform_indices = #map1}]} {
    %mul3A = arith.constant 16 : i32
    %mul3A_0 = arith.muli %arg0, %mul3A : i32
    %add3A = arith.addi %mul3A_0, %arg1 : i32
    %dma_start3A = arith.constant 1 : i32
    %dma_start3A_1 = arith.constant 0 : i32
    %dma_start3A_2 = arith.constant 0 : i32
    %dma_start3A_3 = tpu.memref_slice %arg2[%dma_start3A, %add3A, %dma_start3A_1, %dma_start3A_2] : memref<2x32x80x125xi32, #tpu.memory_space<hbm>> -> memref<1x1x80x125xi32, #tpu.memory_space<hbm>>
    %dma_start3A_4 = tpu.memref_squeeze %dma_start3A_3 : memref<1x1x80x125xi32, #tpu.memory_space<hbm>> -> memref<80x125xi32, #tpu.memory_space<hbm>>
    %dma_start3A_5 = arith.constant 0 : i32
    %dma_start3A_6 = arith.constant 0 : i32
    %dma_start3A_7 = tpu.memref_slice %arg2[%dma_start3A, %add3A, %dma_start3A_5, %dma_start3A_6] : memref<2x32x80x125xi32, #tpu.memory_space<hbm>> -> memref<1x1x80x125xi32, #tpu.memory_space<hbm>>
    %dma_start3A_8 = tpu.memref_squeeze %dma_start3A_7 : memref<1x1x80x125xi32, #tpu.memory_space<hbm>> -> memref<80x125xi32, #tpu.memory_space<hbm>>
    tpu.enqueue_dma source(%dma_start3A_8 : memref<80x125xi32, #tpu.memory_space<hbm>>) target(%arg4 : memref<80x125xi32, #tpu.memory_space<vmem>>) target_semaphore(%arg8 : memref<!tpu.dma_semaphore, #tpu.memory_space<semaphore_mem>>)
    %scan3A = arith.constant 0 : i32
    %scan3A_9 = arith.constant 0 : i32
    %scan3A_10 = arith.constant 8 : i32
    %scan3A_11 = arith.addi %scan3A_9, %scan3A_10 : i32
    %scan3A_12 = arith.constant 1 : i32
    scf.for %scan3A_57 = %scan3A_9 to %scan3A_11 step %scan3A_12  : i32 {
      %broadcast_in_dim3A = arith.constant 1.000000e+00 : f32
      %broadcast_in_dim3A_58 = vector.broadcast %broadcast_in_dim3A : f32 to vector<16xf32>
      %mul3A_59 = arith.constant 16 : i32
      %mul3A_60 = arith.muli %scan3A_57, %mul3A_59 : i32
      %swap3A = arith.index_cast %mul3A_60 : i32 to index
      %swap3A_61 = tpu.vector_load %arg5[%swap3A] {strides = array<i32>} : memref<128xf32, #tpu.memory_space<vmem>>, vector<16xf32>,
      %swap3A_62 = vector.shape_cast %swap3A_61 : vector<16xf32> to vector<16xf32>
      %swap3A_63 = vector.shape_cast %broadcast_in_dim3A_58 : vector<16xf32> to vector<16xf32>
      tpu.vector_store %arg5[%swap3A], %swap3A_63 {strides = array<i32>} : memref<128xf32, #tpu.memory_space<vmem>>, vector<16xf32>,
    }
    %scan3A_13 = arith.constant 8 : i32
    %scan3A_14 = arith.constant 0 : i32
    %scan3A_15 = arith.constant 0 : i32
    %scan3A_16 = arith.constant 40 : i32
    %scan3A_17 = arith.addi %scan3A_15, %scan3A_16 : i32
    %scan3A_18 = arith.constant 1 : i32
    scf.for %scan3A_57 = %scan3A_15 to %scan3A_17 step %scan3A_18  : i32 {
      %broadcast_in_dim3A = arith.constant 0.000000e+00 : f32
      %broadcast_in_dim3A_58 = vector.broadcast %broadcast_in_dim3A : f32 to vector<16xf32>
      %mul3A_59 = arith.constant 16 : i32
      %mul3A_60 = arith.muli %scan3A_57, %mul3A_59 : i32
      %swap3A = arith.index_cast %mul3A_60 : i32 to index
      %swap3A_61 = tpu.vector_load %arg6[%swap3A] {strides = array<i32>} : memref<640xf32, #tpu.memory_space<vmem>>, vector<16xf32>,
      %swap3A_62 = vector.shape_cast %swap3A_61 : vector<16xf32> to vector<16xf32>
      %swap3A_63 = vector.shape_cast %broadcast_in_dim3A_58 : vector<16xf32> to vector<16xf32>
      tpu.vector_store %arg6[%swap3A], %swap3A_63 {strides = array<i32>} : memref<640xf32, #tpu.memory_space<vmem>>, vector<16xf32>,
    }
    %scan3A_19 = arith.constant 40 : i32
    %mul3A_20 = arith.constant 640 : i32
    %mul3A_21 = arith.muli %arg1, %mul3A_20 : i32
    "tpu.region"() ({
      %run_scoped3A = tpu.sem_alloc : memref<!tpu.dma_semaphore, #tpu.memory_space<semaphore_mem>>
      %dma_start3A_57 = tpu.memref_slice %arg7[%mul3A_21] : memref<10240xf32, #tpu.memory_space<vmem_shared>> -> memref<640xf32, #tpu.memory_space<vmem_shared>>
      %dma_start3A_58 = tpu.memref_slice %arg7[%mul3A_21] : memref<10240xf32, #tpu.memory_space<vmem_shared>> -> memref<640xf32, #tpu.memory_space<vmem_shared>>
      tpu.enqueue_dma source(%arg6 : memref<640xf32, #tpu.memory_space<vmem>>) target(%dma_start3A_58 : memref<640xf32, #tpu.memory_space<vmem_shared>>) target_semaphore(%run_scoped3A : memref<!tpu.dma_semaphore, #tpu.memory_space<semaphore_mem>>)
      %dma_wait3A_59 = tpu.memref_slice %arg7[%mul3A_21] : memref<10240xf32, #tpu.memory_space<vmem_shared>> -> memref<640xf32, #tpu.memory_space<vmem_shared>>
      %dma_wait3A_60 = tpu.memref_slice %arg7[%mul3A_21] : memref<10240xf32, #tpu.memory_space<vmem_shared>> -> memref<640xf32, #tpu.memory_space<vmem_shared>>
      tpu.wait_dma2 semaphore(%run_scoped3A : memref<!tpu.dma_semaphore, #tpu.memory_space<semaphore_mem>>) src(%arg6 : memref<640xf32, #tpu.memory_space<vmem>>) dst(%dma_wait3A_60 : memref<640xf32, #tpu.memory_space<vmem_shared>>)
      tpu.yield
    }) : () -> ()
    %dma_wait3A = arith.constant 1 : i32
    %dma_wait3A_22 = arith.constant 0 : i32
    %dma_wait3A_23 = arith.constant 0 : i32
    %dma_wait3A_24 = tpu.memref_slice %arg2[%dma_wait3A, %add3A, %dma_wait3A_22, %dma_wait3A_23] : memref<2x32x80x125xi32, #tpu.memory_space<hbm>> -> memref<1x1x80x125xi32, #tpu.memory_space<hbm>>
    %dma_wait3A_25 = tpu.memref_squeeze %dma_wait3A_24 : memref<1x1x80x125xi32, #tpu.memory_space<hbm>> -> memref<80x125xi32, #tpu.memory_space<hbm>>
    %dma_wait3A_26 = arith.constant 0 : i32
    %dma_wait3A_27 = arith.constant 0 : i32
    %dma_wait3A_28 = tpu.memref_slice %arg2[%dma_wait3A, %add3A, %dma_wait3A_26, %dma_wait3A_27] : memref<2x32x80x125xi32, #tpu.memory_space<hbm>> -> memref<1x1x80x125xi32, #tpu.memory_space<hbm>>
    %dma_wait3A_29 = tpu.memref_squeeze %dma_wait3A_28 : memref<1x1x80x125xi32, #tpu.memory_space<hbm>> -> memref<80x125xi32, #tpu.memory_space<hbm>>
    tpu.wait_dma2 semaphore(%arg8 : memref<!tpu.dma_semaphore, #tpu.memory_space<semaphore_mem>>) src(%dma_wait3A_29 : memref<80x125xi32, #tpu.memory_space<hbm>>) dst(%arg4 : memref<80x125xi32, #tpu.memory_space<vmem>>)
    %barrier3A = arith.constant 0 : index
    tpu.barrier barrier_id(%barrier3A)
    %scan3A_30 = arith.constant 0 : i32
    %scan3A_31 = arith.constant 0 : i32
    %scan3A_32 = arith.constant 40 : i32
    %scan3A_33 = arith.addi %scan3A_31, %scan3A_32 : i32
    %scan3A_34 = arith.constant 1 : i32
    scf.for %scan3A_57 = %scan3A_31 to %scan3A_33 step %scan3A_34  : i32 {
      %mul3A_58 = arith.constant 2 : i32
      %mul3A_59 = arith.muli %mul3A_58, %scan3A_57 : i32
      %add3A_60 = arith.constant 0 : i32
      %add3A_61 = arith.addi %mul3A_59, %add3A_60 : i32
      %gt3A = arith.constant 0 : i32
      %gt3A_62 = arith.cmpi sgt, %scan3A_57, %gt3A : i32
      %convert_element_type3A = arith.extui %gt3A_62 : i1 to i32
      %cond3A = arith.constant 0 : i32
      %cond3A_63 = arith.cmpi ne, %convert_element_type3A, %cond3A : i32
      scf.if %cond3A_63 {
        %sub3A = arith.constant 2 : i32
        %sub3A_87 = arith.subi %add3A_61, %sub3A : i32
        %dma_wait3A_88 = arith.constant 0 : i32
        %dma_wait3A_89 = tpu.memref_slice %arg5[%dma_wait3A_88] : memref<128xf32, #tpu.memory_space<vmem>> -> memref<125xf32, #tpu.memory_space<vmem>>
        %dma_wait3A_90 = arith.constant 0 : i32
        %dma_wait3A_91 = tpu.memref_slice %arg4[%sub3A_87, %dma_wait3A_90] : memref<80x125xi32, #tpu.memory_space<vmem>> -> memref<1x125xi32, #tpu.memory_space<vmem>>
        %dma_wait3A_92 = tpu.memref_squeeze %dma_wait3A_91 : memref<1x125xi32, #tpu.memory_space<vmem>> -> memref<125xi32, #tpu.memory_space<vmem>>
        %dma_wait3A_93 = arith.constant 0 : i32
        %dma_wait3A_94 = tpu.memref_slice %arg7[%dma_wait3A_93] : memref<10240xf32, #tpu.memory_space<vmem_shared>> -> memref<10240xf32, #tpu.memory_space<vmem_shared>>
        tpu.wait_indirect_dma semaphore(%arg9 : memref<!tpu.dma_semaphore, #tpu.memory_space<semaphore_mem>>) src(%dma_wait3A_89 : memref<125xf32, #tpu.memory_space<vmem>>) dst(%dma_wait3A_94 : memref<10240xf32, #tpu.memory_space<vmem_shared>>)
      } else {
      }
      %dma_start3A_64 = arith.constant 0 : i32
      %dma_start3A_65 = tpu.memref_slice %arg5[%dma_start3A_64] : memref<128xf32, #tpu.memory_space<vmem>> -> memref<125xf32, #tpu.memory_space<vmem>>
      %dma_start3A_66 = arith.constant 0 : i32
      %dma_start3A_67 = tpu.memref_slice %arg4[%add3A_61, %dma_start3A_66] : memref<80x125xi32, #tpu.memory_space<vmem>> -> memref<1x125xi32, #tpu.memory_space<vmem>>
      %dma_start3A_68 = tpu.memref_squeeze %dma_start3A_67 : memref<1x125xi32, #tpu.memory_space<vmem>> -> memref<125xi32, #tpu.memory_space<vmem>>
      %dma_start3A_69 = arith.constant 0 : i32
      %dma_start3A_70 = tpu.memref_slice %arg7[%dma_start3A_69] : memref<10240xf32, #tpu.memory_space<vmem_shared>> -> memref<10240xf32, #tpu.memory_space<vmem_shared>>
      tpu.enqueue_indirect_dma source(%dma_start3A_65 : memref<125xf32, #tpu.memory_space<vmem>>) target(%dma_start3A_70 : memref<10240xf32, #tpu.memory_space<vmem_shared>>) offsets(%dma_start3A_68 : memref<125xi32, #tpu.memory_space<vmem>>) semaphore(%arg9 : memref<!tpu.dma_semaphore, #tpu.memory_space<semaphore_mem>>) {add = true}
      %mul3A_71 = arith.constant 2 : i32
      %mul3A_72 = arith.muli %mul3A_71, %scan3A_57 : i32
      %add3A_73 = arith.constant 1 : i32
      %add3A_74 = arith.addi %mul3A_72, %add3A_73 : i32
      %gt3A_75 = arith.constant 0 : i32
      %gt3A_76 = arith.cmpi sgt, %scan3A_57, %gt3A_75 : i32
      %convert_element_type3A_77 = arith.extui %gt3A_76 : i1 to i32
      %cond3A_78 = arith.constant 0 : i32
      %cond3A_79 = arith.cmpi ne, %convert_element_type3A_77, %cond3A_78 : i32
      scf.if %cond3A_79 {
        %sub3A = arith.constant 2 : i32
        %sub3A_87 = arith.subi %add3A_74, %sub3A : i32
        %dma_wait3A_88 = arith.constant 0 : i32
        %dma_wait3A_89 = tpu.memref_slice %arg5[%dma_wait3A_88] : memref<128xf32, #tpu.memory_space<vmem>> -> memref<125xf32, #tpu.memory_space<vmem>>
        %dma_wait3A_90 = arith.constant 0 : i32
        %dma_wait3A_91 = tpu.memref_slice %arg4[%sub3A_87, %dma_wait3A_90] : memref<80x125xi32, #tpu.memory_space<vmem>> -> memref<1x125xi32, #tpu.memory_space<vmem>>
        %dma_wait3A_92 = tpu.memref_squeeze %dma_wait3A_91 : memref<1x125xi32, #tpu.memory_space<vmem>> -> memref<125xi32, #tpu.memory_space<vmem>>
        %dma_wait3A_93 = arith.constant 0 : i32
        %dma_wait3A_94 = tpu.memref_slice %arg7[%dma_wait3A_93] : memref<10240xf32, #tpu.memory_space<vmem_shared>> -> memref<10240xf32, #tpu.memory_space<vmem_shared>>
        tpu.wait_indirect_dma semaphore(%arg10 : memref<!tpu.dma_semaphore, #tpu.memory_space<semaphore_mem>>) src(%dma_wait3A_89 : memref<125xf32, #tpu.memory_space<vmem>>) dst(%dma_wait3A_94 : memref<10240xf32, #tpu.memory_space<vmem_shared>>)
      } else {
      }
      %dma_start3A_80 = arith.constant 0 : i32
      %dma_start3A_81 = tpu.memref_slice %arg5[%dma_start3A_80] : memref<128xf32, #tpu.memory_space<vmem>> -> memref<125xf32, #tpu.memory_space<vmem>>
      %dma_start3A_82 = arith.constant 0 : i32
      %dma_start3A_83 = tpu.memref_slice %arg4[%add3A_74, %dma_start3A_82] : memref<80x125xi32, #tpu.memory_space<vmem>> -> memref<1x125xi32, #tpu.memory_space<vmem>>
      %dma_start3A_84 = tpu.memref_squeeze %dma_start3A_83 : memref<1x125xi32, #tpu.memory_space<vmem>> -> memref<125xi32, #tpu.memory_space<vmem>>
      %dma_start3A_85 = arith.constant 0 : i32
      %dma_start3A_86 = tpu.memref_slice %arg7[%dma_start3A_85] : memref<10240xf32, #tpu.memory_space<vmem_shared>> -> memref<10240xf32, #tpu.memory_space<vmem_shared>>
      tpu.enqueue_indirect_dma source(%dma_start3A_81 : memref<125xf32, #tpu.memory_space<vmem>>) target(%dma_start3A_86 : memref<10240xf32, #tpu.memory_space<vmem_shared>>) offsets(%dma_start3A_84 : memref<125xi32, #tpu.memory_space<vmem>>) semaphore(%arg10 : memref<!tpu.dma_semaphore, #tpu.memory_space<semaphore_mem>>) {add = true}
    }
    %scan3A_35 = arith.constant 40 : i32
    %dma_wait3A_36 = arith.constant 78 : i32
    %dma_wait3A_37 = arith.constant 0 : i32
    %dma_wait3A_38 = tpu.memref_slice %arg5[%dma_wait3A_37] : memref<128xf32, #tpu.memory_space<vmem>> -> memref<125xf32, #tpu.memory_space<vmem>>
    %dma_wait3A_39 = arith.constant 0 : i32
    %dma_wait3A_40 = tpu.memref_slice %arg4[%dma_wait3A_36, %dma_wait3A_39] : memref<80x125xi32, #tpu.memory_space<vmem>> -> memref<1x125xi32, #tpu.memory_space<vmem>>
    %dma_wait3A_41 = tpu.memref_squeeze %dma_wait3A_40 : memref<1x125xi32, #tpu.memory_space<vmem>> -> memref<125xi32, #tpu.memory_space<vmem>>
    %dma_wait3A_42 = arith.constant 0 : i32
    %dma_wait3A_43 = tpu.memref_slice %arg7[%dma_wait3A_42] : memref<10240xf32, #tpu.memory_space<vmem_shared>> -> memref<10240xf32, #tpu.memory_space<vmem_shared>>
    tpu.wait_indirect_dma semaphore(%arg9 : memref<!tpu.dma_semaphore, #tpu.memory_space<semaphore_mem>>) src(%dma_wait3A_38 : memref<125xf32, #tpu.memory_space<vmem>>) dst(%dma_wait3A_43 : memref<10240xf32, #tpu.memory_space<vmem_shared>>)
    %dma_wait3A_44 = arith.constant 79 : i32
    %dma_wait3A_45 = arith.constant 0 : i32
    %dma_wait3A_46 = tpu.memref_slice %arg5[%dma_wait3A_45] : memref<128xf32, #tpu.memory_space<vmem>> -> memref<125xf32, #tpu.memory_space<vmem>>
    %dma_wait3A_47 = arith.constant 0 : i32
    %dma_wait3A_48 = tpu.memref_slice %arg4[%dma_wait3A_44, %dma_wait3A_47] : memref<80x125xi32, #tpu.memory_space<vmem>> -> memref<1x125xi32, #tpu.memory_space<vmem>>
    %dma_wait3A_49 = tpu.memref_squeeze %dma_wait3A_48 : memref<1x125xi32, #tpu.memory_space<vmem>> -> memref<125xi32, #tpu.memory_space<vmem>>
    %dma_wait3A_50 = arith.constant 0 : i32
    %dma_wait3A_51 = tpu.memref_slice %arg7[%dma_wait3A_50] : memref<10240xf32, #tpu.memory_space<vmem_shared>> -> memref<10240xf32, #tpu.memory_space<vmem_shared>>
    tpu.wait_indirect_dma semaphore(%arg10 : memref<!tpu.dma_semaphore, #tpu.memory_space<semaphore_mem>>) src(%dma_wait3A_46 : memref<125xf32, #tpu.memory_space<vmem>>) dst(%dma_wait3A_51 : memref<10240xf32, #tpu.memory_space<vmem_shared>>)
    %barrier3A_52 = arith.constant 0 : index
    tpu.barrier barrier_id(%barrier3A_52)
    %mul3A_53 = arith.constant 640 : i32
    %mul3A_54 = arith.muli %arg1, %mul3A_53 : i32
    %mul3A_55 = arith.constant 640 : i32
    %mul3A_56 = arith.muli %arg1, %mul3A_55 : i32
    "tpu.region"() ({
      %run_scoped3A = tpu.sem_alloc : memref<!tpu.dma_semaphore, #tpu.memory_space<semaphore_mem>>
      %dma_start3A_57 = tpu.memref_slice %arg3[%arg0, %mul3A_56] : memref<2x10240xf32, #tpu.memory_space<hbm>> -> memref<1x640xf32, #tpu.memory_space<hbm>>
      %dma_start3A_58 = tpu.memref_squeeze %dma_start3A_57 : memref<1x640xf32, #tpu.memory_space<hbm>> -> memref<640xf32, #tpu.memory_space<hbm>>
      %dma_start3A_59 = tpu.memref_slice %arg7[%mul3A_54] : memref<10240xf32, #tpu.memory_space<vmem_shared>> -> memref<640xf32, #tpu.memory_space<vmem_shared>>
      tpu.enqueue_dma source(%dma_start3A_59 : memref<640xf32, #tpu.memory_space<vmem_shared>>) target(%dma_start3A_58 : memref<640xf32, #tpu.memory_space<hbm>>) target_semaphore(%run_scoped3A : memref<!tpu.dma_semaphore, #tpu.memory_space<semaphore_mem>>)
      %dma_wait3A_60 = tpu.memref_slice %arg3[%arg0, %mul3A_56] : memref<2x10240xf32, #tpu.memory_space<hbm>> -> memref<1x640xf32, #tpu.memory_space<hbm>>
      %dma_wait3A_61 = tpu.memref_squeeze %dma_wait3A_60 : memref<1x640xf32, #tpu.memory_space<hbm>> -> memref<640xf32, #tpu.memory_space<hbm>>
      %dma_wait3A_62 = tpu.memref_slice %arg7[%mul3A_54] : memref<10240xf32, #tpu.memory_space<vmem_shared>> -> memref<640xf32, #tpu.memory_space<vmem_shared>>
      tpu.wait_dma2 semaphore(%run_scoped3A : memref<!tpu.dma_semaphore, #tpu.memory_space<semaphore_mem>>) src(%dma_wait3A_62 : memref<640xf32, #tpu.memory_space<vmem_shared>>) dst(%dma_wait3A_61 : memref<640xf32, #tpu.memory_space<hbm>>)
      tpu.yield
    }) : () -> ()
    return
  }
}

#map = affine_map<(d0, d1) -> (0, 0)>
#map1 = affine_map<(d0, d1) -> (0, 0, 0, 0)>
#map2 = affine_map<(d0, d1) -> (0, 0, 0)>
module attributes {stable_mosaic.version = 14 : i64} {
  func.func @_edge_kernel(%arg0: i32, %arg1: i32, %arg2: memref<10000x128xf32, #tpu.memory_space<hbm>>, %arg3: memref<2x32x80x125xi32, #tpu.memory_space<hbm>>, %arg4: memref<10240x128xf32, #tpu.memory_space<hbm>>, %arg5: memref<2x10240x128xf32, #tpu.memory_space<hbm>>, %arg6: memref<80x125xi32, #tpu.memory_space<vmem>>, %arg7: memref<2x125xi32, #tpu.memory_space<vmem>>, %arg8: memref<2x125x128xf32, #tpu.memory_space<vmem>>, %arg9: memref<10240x128xf32, #tpu.memory_space<vmem_shared>>, %arg10: memref<!tpu.dma_semaphore, #tpu.memory_space<semaphore_mem>>, %arg11: memref<!tpu.dma_semaphore, #tpu.memory_space<semaphore_mem>>, %arg12: memref<!tpu.dma_semaphore, #tpu.memory_space<semaphore_mem>>, %arg13: memref<!tpu.dma_semaphore, #tpu.memory_space<semaphore_mem>>, %arg14: memref<!tpu.dma_semaphore, #tpu.memory_space<semaphore_mem>>, %arg15: memref<!tpu.dma_semaphore, #tpu.memory_space<semaphore_mem>>, %arg16: memref<!tpu.dma_semaphore, #tpu.memory_space<semaphore_mem>>) attributes {dimension_semantics = [#tpu.dimension_semantics<core_parallel>, #tpu.dimension_semantics<subcore_parallel>], iteration_bounds = array<i64: 2, 16>, scalar_prefetch = 0 : i64, scratch_operands = 11 : i64, tpu.core_type = #tpu.core_type<sc_vector_subcore>, window_params = [{transform_indices = #map}, {transform_indices = #map1}, {transform_indices = #map}, {transform_indices = #map2}]} {
    %mul3A = arith.constant 16 : i32
    %mul3A_0 = arith.muli %arg0, %mul3A : i32
    %add3A = arith.addi %mul3A_0, %arg1 : i32
    %mul3A_1 = arith.constant 640 : i32
    %mul3A_2 = arith.muli %arg1, %mul3A_1 : i32
    %mul3A_3 = arith.constant 640 : i32
    %mul3A_4 = arith.muli %arg1, %mul3A_3 : i32
    %dma_start3A = arith.constant 0 : i32
    %dma_start3A_5 = tpu.memref_slice %arg9[%mul3A_4, %dma_start3A] : memref<10240x128xf32, #tpu.memory_space<vmem_shared>> -> memref<640x128xf32, #tpu.memory_space<vmem_shared>>
    %dma_start3A_6 = arith.constant 0 : i32
    %dma_start3A_7 = tpu.memref_slice %arg4[%mul3A_2, %dma_start3A_6] : memref<10240x128xf32, #tpu.memory_space<hbm>> -> memref<640x128xf32, #tpu.memory_space<hbm>>
    tpu.enqueue_dma source(%dma_start3A_7 : memref<640x128xf32, #tpu.memory_space<hbm>>) target(%dma_start3A_5 : memref<640x128xf32, #tpu.memory_space<vmem_shared>>) target_semaphore(%arg10 : memref<!tpu.dma_semaphore, #tpu.memory_space<semaphore_mem>>)
    %run_scoped3A = arith.constant 1 : i32
    "tpu.region"() ({
      %run_scoped3A_94 = tpu.sem_alloc : memref<!tpu.dma_semaphore, #tpu.memory_space<semaphore_mem>>
      %dma_start3A_95 = arith.constant 0 : i32
      %dma_start3A_96 = arith.constant 0 : i32
      %dma_start3A_97 = tpu.memref_slice %arg3[%run_scoped3A, %add3A, %dma_start3A_95, %dma_start3A_96] : memref<2x32x80x125xi32, #tpu.memory_space<hbm>> -> memref<1x1x80x125xi32, #tpu.memory_space<hbm>>
      %dma_start3A_98 = tpu.memref_squeeze %dma_start3A_97 : memref<1x1x80x125xi32, #tpu.memory_space<hbm>> -> memref<80x125xi32, #tpu.memory_space<hbm>>
      %dma_start3A_99 = arith.constant 0 : i32
      %dma_start3A_100 = arith.constant 0 : i32
      %dma_start3A_101 = tpu.memref_slice %arg3[%run_scoped3A, %add3A, %dma_start3A_99, %dma_start3A_100] : memref<2x32x80x125xi32, #tpu.memory_space<hbm>> -> memref<1x1x80x125xi32, #tpu.memory_space<hbm>>
      %dma_start3A_102 = tpu.memref_squeeze %dma_start3A_101 : memref<1x1x80x125xi32, #tpu.memory_space<hbm>> -> memref<80x125xi32, #tpu.memory_space<hbm>>
      tpu.enqueue_dma source(%dma_start3A_102 : memref<80x125xi32, #tpu.memory_space<hbm>>) target(%arg6 : memref<80x125xi32, #tpu.memory_space<vmem>>) target_semaphore(%run_scoped3A_94 : memref<!tpu.dma_semaphore, #tpu.memory_space<semaphore_mem>>)
      %dma_wait3A_103 = arith.constant 0 : i32
      %dma_wait3A_104 = arith.constant 0 : i32
      %dma_wait3A_105 = tpu.memref_slice %arg3[%run_scoped3A, %add3A, %dma_wait3A_103, %dma_wait3A_104] : memref<2x32x80x125xi32, #tpu.memory_space<hbm>> -> memref<1x1x80x125xi32, #tpu.memory_space<hbm>>
      %dma_wait3A_106 = tpu.memref_squeeze %dma_wait3A_105 : memref<1x1x80x125xi32, #tpu.memory_space<hbm>> -> memref<80x125xi32, #tpu.memory_space<hbm>>
      %dma_wait3A_107 = arith.constant 0 : i32
      %dma_wait3A_108 = arith.constant 0 : i32
      %dma_wait3A_109 = tpu.memref_slice %arg3[%run_scoped3A, %add3A, %dma_wait3A_107, %dma_wait3A_108] : memref<2x32x80x125xi32, #tpu.memory_space<hbm>> -> memref<1x1x80x125xi32, #tpu.memory_space<hbm>>
      %dma_wait3A_110 = tpu.memref_squeeze %dma_wait3A_109 : memref<1x1x80x125xi32, #tpu.memory_space<hbm>> -> memref<80x125xi32, #tpu.memory_space<hbm>>
      tpu.wait_dma2 semaphore(%run_scoped3A_94 : memref<!tpu.dma_semaphore, #tpu.memory_space<semaphore_mem>>) src(%dma_wait3A_110 : memref<80x125xi32, #tpu.memory_space<hbm>>) dst(%arg6 : memref<80x125xi32, #tpu.memory_space<vmem>>)
      tpu.yield
    }) : () -> ()
    %dma_start3A_8 = arith.constant 0 : i32
    %dma_start3A_9 = arith.constant 0 : i32
    %dma_start3A_10 = arith.constant 0 : i32
    %dma_start3A_11 = tpu.memref_slice %arg7[%dma_start3A_9, %dma_start3A_10] : memref<2x125xi32, #tpu.memory_space<vmem>> -> memref<1x125xi32, #tpu.memory_space<vmem>>
    %dma_start3A_12 = arith.constant 0 : i32
    %dma_start3A_13 = arith.constant 0 : i32
    %dma_start3A_14 = tpu.memref_slice %arg3[%dma_start3A_8, %add3A, %dma_start3A_12, %dma_start3A_13] : memref<2x32x80x125xi32, #tpu.memory_space<hbm>> -> memref<1x1x1x125xi32, #tpu.memory_space<hbm>>
    %dma_start3A_15 = tpu.memref_squeeze %dma_start3A_14 : memref<1x1x1x125xi32, #tpu.memory_space<hbm>> -> memref<1x125xi32, #tpu.memory_space<hbm>>
    %dma_start3A_16 = arith.constant 0 : i32
    %dma_start3A_17 = arith.constant 0 : i32
    %dma_start3A_18 = tpu.memref_slice %arg7[%dma_start3A_16, %dma_start3A_17] : memref<2x125xi32, #tpu.memory_space<vmem>> -> memref<1x125xi32, #tpu.memory_space<vmem>>
    %dma_start3A_19 = arith.constant 0 : i32
    %dma_start3A_20 = arith.constant 0 : i32
    %dma_start3A_21 = tpu.memref_slice %arg3[%dma_start3A_8, %add3A, %dma_start3A_19, %dma_start3A_20] : memref<2x32x80x125xi32, #tpu.memory_space<hbm>> -> memref<1x1x1x125xi32, #tpu.memory_space<hbm>>
    %dma_start3A_22 = tpu.memref_squeeze %dma_start3A_21 : memref<1x1x1x125xi32, #tpu.memory_space<hbm>> -> memref<1x125xi32, #tpu.memory_space<hbm>>
    tpu.enqueue_dma source(%dma_start3A_22 : memref<1x125xi32, #tpu.memory_space<hbm>>) target(%dma_start3A_18 : memref<1x125xi32, #tpu.memory_space<vmem>>) target_semaphore(%arg11 : memref<!tpu.dma_semaphore, #tpu.memory_space<semaphore_mem>>)
    %dma_start3A_23 = arith.constant 0 : i32
    %dma_start3A_24 = arith.constant 1 : i32
    %dma_start3A_25 = arith.constant 0 : i32
    %dma_start3A_26 = tpu.memref_slice %arg7[%dma_start3A_24, %dma_start3A_25] : memref<2x125xi32, #tpu.memory_space<vmem>> -> memref<1x125xi32, #tpu.memory_space<vmem>>
    %dma_start3A_27 = arith.constant 1 : i32
    %dma_start3A_28 = arith.constant 0 : i32
    %dma_start3A_29 = tpu.memref_slice %arg3[%dma_start3A_23, %add3A, %dma_start3A_27, %dma_start3A_28] : memref<2x32x80x125xi32, #tpu.memory_space<hbm>> -> memref<1x1x1x125xi32, #tpu.memory_space<hbm>>
    %dma_start3A_30 = tpu.memref_squeeze %dma_start3A_29 : memref<1x1x1x125xi32, #tpu.memory_space<hbm>> -> memref<1x125xi32, #tpu.memory_space<hbm>>
    %dma_start3A_31 = arith.constant 1 : i32
    %dma_start3A_32 = arith.constant 0 : i32
    %dma_start3A_33 = tpu.memref_slice %arg7[%dma_start3A_31, %dma_start3A_32] : memref<2x125xi32, #tpu.memory_space<vmem>> -> memref<1x125xi32, #tpu.memory_space<vmem>>
    %dma_start3A_34 = arith.constant 1 : i32
    %dma_start3A_35 = arith.constant 0 : i32
    %dma_start3A_36 = tpu.memref_slice %arg3[%dma_start3A_23, %add3A, %dma_start3A_34, %dma_start3A_35] : memref<2x32x80x125xi32, #tpu.memory_space<hbm>> -> memref<1x1x1x125xi32, #tpu.memory_space<hbm>>
    %dma_start3A_37 = tpu.memref_squeeze %dma_start3A_36 : memref<1x1x1x125xi32, #tpu.memory_space<hbm>> -> memref<1x125xi32, #tpu.memory_space<hbm>>
    tpu.enqueue_dma source(%dma_start3A_37 : memref<1x125xi32, #tpu.memory_space<hbm>>) target(%dma_start3A_33 : memref<1x125xi32, #tpu.memory_space<vmem>>) target_semaphore(%arg12 : memref<!tpu.dma_semaphore, #tpu.memory_space<semaphore_mem>>)
    %dma_wait3A = arith.constant 0 : i32
    %dma_wait3A_38 = arith.constant 0 : i32
    %dma_wait3A_39 = arith.constant 0 : i32
    %dma_wait3A_40 = tpu.memref_slice %arg7[%dma_wait3A_38, %dma_wait3A_39] : memref<2x125xi32, #tpu.memory_space<vmem>> -> memref<1x125xi32, #tpu.memory_space<vmem>>
    %dma_wait3A_41 = arith.constant 0 : i32
    %dma_wait3A_42 = arith.constant 0 : i32
    %dma_wait3A_43 = tpu.memref_slice %arg3[%dma_wait3A, %add3A, %dma_wait3A_41, %dma_wait3A_42] : memref<2x32x80x125xi32, #tpu.memory_space<hbm>> -> memref<1x1x1x125xi32, #tpu.memory_space<hbm>>
    %dma_wait3A_44 = tpu.memref_squeeze %dma_wait3A_43 : memref<1x1x1x125xi32, #tpu.memory_space<hbm>> -> memref<1x125xi32, #tpu.memory_space<hbm>>
    %dma_wait3A_45 = arith.constant 0 : i32
    %dma_wait3A_46 = arith.constant 0 : i32
    %dma_wait3A_47 = tpu.memref_slice %arg7[%dma_wait3A_45, %dma_wait3A_46] : memref<2x125xi32, #tpu.memory_space<vmem>> -> memref<1x125xi32, #tpu.memory_space<vmem>>
    %dma_wait3A_48 = arith.constant 0 : i32
    %dma_wait3A_49 = arith.constant 0 : i32
    %dma_wait3A_50 = tpu.memref_slice %arg3[%dma_wait3A, %add3A, %dma_wait3A_48, %dma_wait3A_49] : memref<2x32x80x125xi32, #tpu.memory_space<hbm>> -> memref<1x1x1x125xi32, #tpu.memory_space<hbm>>
    %dma_wait3A_51 = tpu.memref_squeeze %dma_wait3A_50 : memref<1x1x1x125xi32, #tpu.memory_space<hbm>> -> memref<1x125xi32, #tpu.memory_space<hbm>>
    tpu.wait_dma2 semaphore(%arg11 : memref<!tpu.dma_semaphore, #tpu.memory_space<semaphore_mem>>) src(%dma_wait3A_51 : memref<1x125xi32, #tpu.memory_space<hbm>>) dst(%dma_wait3A_47 : memref<1x125xi32, #tpu.memory_space<vmem>>)
    %dma_start3A_52 = arith.constant 0 : i32
    %dma_start3A_53 = arith.constant 0 : i32
    %dma_start3A_54 = arith.constant 0 : i32
    %dma_start3A_55 = arith.constant 0 : i32
    %dma_start3A_56 = tpu.memref_slice %arg8[%dma_start3A_53, %dma_start3A_54, %dma_start3A_55] : memref<2x125x128xf32, #tpu.memory_space<vmem>> -> memref<1x125x128xf32, #tpu.memory_space<vmem>>
    %dma_start3A_57 = tpu.memref_squeeze %dma_start3A_56 : memref<1x125x128xf32, #tpu.memory_space<vmem>> -> memref<125x128xf32, #tpu.memory_space<vmem>>
    %dma_start3A_58 = arith.constant 0 : i32
    %dma_start3A_59 = tpu.memref_slice %arg7[%dma_start3A_52, %dma_start3A_58] : memref<2x125xi32, #tpu.memory_space<vmem>> -> memref<1x125xi32, #tpu.memory_space<vmem>>
    %dma_start3A_60 = tpu.memref_squeeze %dma_start3A_59 : memref<1x125xi32, #tpu.memory_space<vmem>> -> memref<125xi32, #tpu.memory_space<vmem>>
    %dma_start3A_61 = arith.constant 0 : i32
    %dma_start3A_62 = arith.constant 0 : i32
    %dma_start3A_63 = tpu.memref_slice %arg2[%dma_start3A_61, %dma_start3A_62] : memref<10000x128xf32, #tpu.memory_space<hbm>> -> memref<10000x128xf32, #tpu.memory_space<hbm>>
    tpu.enqueue_indirect_dma source(%dma_start3A_63 : memref<10000x128xf32, #tpu.memory_space<hbm>>) target(%dma_start3A_57 : memref<125x128xf32, #tpu.memory_space<vmem>>) offsets(%dma_start3A_60 : memref<125xi32, #tpu.memory_space<vmem>>) semaphore(%arg13 : memref<!tpu.dma_semaphore, #tpu.memory_space<semaphore_mem>>)
    %mul3A_64 = arith.constant 640 : i32
    %mul3A_65 = arith.muli %arg1, %mul3A_64 : i32
    %mul3A_66 = arith.constant 640 : i32
    %mul3A_67 = arith.muli %arg1, %mul3A_66 : i32
    %dma_wait3A_68 = arith.constant 0 : i32
    %dma_wait3A_69 = tpu.memref_slice %arg9[%mul3A_67, %dma_wait3A_68] : memref<10240x128xf32, #tpu.memory_space<vmem_shared>> -> memref<640x128xf32, #tpu.memory_space<vmem_shared>>
    %dma_wait3A_70 = arith.constant 0 : i32
    %dma_wait3A_71 = tpu.memref_slice %arg4[%mul3A_65, %dma_wait3A_70] : memref<10240x128xf32, #tpu.memory_space<hbm>> -> memref<640x128xf32, #tpu.memory_space<hbm>>
    tpu.wait_dma2 semaphore(%arg10 : memref<!tpu.dma_semaphore, #tpu.memory_space<semaphore_mem>>) src(%dma_wait3A_71 : memref<640x128xf32, #tpu.memory_space<hbm>>) dst(%dma_wait3A_69 : memref<640x128xf32, #tpu.memory_space<vmem_shared>>)
    %barrier3A = arith.constant 0 : index
    tpu.barrier barrier_id(%barrier3A)
    %scan3A = arith.constant 0 : i32
    %scan3A_72 = arith.constant 0 : i32
    %scan3A_73 = arith.constant 40 : i32
    %scan3A_74 = arith.addi %scan3A_72, %scan3A_73 : i32
    %scan3A_75 = arith.constant 1 : i32
    scf.for %scan3A_94 = %scan3A_72 to %scan3A_74 step %scan3A_75  : i32 {
      %mul3A_95 = arith.constant 2 : i32
      %mul3A_96 = arith.muli %mul3A_95, %scan3A_94 : i32
      %dma_wait3A_97 = arith.constant 0 : i32
      %dma_wait3A_98 = arith.constant 0 : i32
      %dma_wait3A_99 = arith.constant 0 : i32
      %dma_wait3A_100 = arith.constant 0 : i32
      %dma_wait3A_101 = tpu.memref_slice %arg8[%dma_wait3A_98, %dma_wait3A_99, %dma_wait3A_100] : memref<2x125x128xf32, #tpu.memory_space<vmem>> -> memref<1x125x128xf32, #tpu.memory_space<vmem>>
      %dma_wait3A_102 = tpu.memref_squeeze %dma_wait3A_101 : memref<1x125x128xf32, #tpu.memory_space<vmem>> -> memref<125x128xf32, #tpu.memory_space<vmem>>
      %dma_wait3A_103 = arith.constant 0 : i32
      %dma_wait3A_104 = tpu.memref_slice %arg7[%dma_wait3A_97, %dma_wait3A_103] : memref<2x125xi32, #tpu.memory_space<vmem>> -> memref<1x125xi32, #tpu.memory_space<vmem>>
      %dma_wait3A_105 = tpu.memref_squeeze %dma_wait3A_104 : memref<1x125xi32, #tpu.memory_space<vmem>> -> memref<125xi32, #tpu.memory_space<vmem>>
      %dma_wait3A_106 = arith.constant 0 : i32
      %dma_wait3A_107 = arith.constant 0 : i32
      %dma_wait3A_108 = tpu.memref_slice %arg2[%dma_wait3A_106, %dma_wait3A_107] : memref<10000x128xf32, #tpu.memory_space<hbm>> -> memref<10000x128xf32, #tpu.memory_space<hbm>>
      tpu.wait_indirect_dma semaphore(%arg13 : memref<!tpu.dma_semaphore, #tpu.memory_space<semaphore_mem>>) src(%dma_wait3A_108 : memref<10000x128xf32, #tpu.memory_space<hbm>>) dst(%dma_wait3A_102 : memref<125x128xf32, #tpu.memory_space<vmem>>)
      %add3A_109 = arith.constant 2 : i32
      %add3A_110 = arith.addi %mul3A_96, %add3A_109 : i32
      %lt3A = arith.constant 80 : i32
      %lt3A_111 = arith.cmpi slt, %add3A_110, %lt3A : i32
      %convert_element_type3A = arith.extui %lt3A_111 : i1 to i32
      %cond3A = arith.constant 0 : i32
      %cond3A_112 = arith.cmpi ne, %convert_element_type3A, %cond3A : i32
      scf.if %cond3A_112 {
        %add3A_205 = arith.constant 2 : i32
        %add3A_206 = arith.addi %mul3A_96, %add3A_205 : i32
        %dma_start3A_207 = arith.constant 0 : i32
        %dma_start3A_208 = arith.constant 0 : i32
        %dma_start3A_209 = arith.constant 0 : i32
        %dma_start3A_210 = tpu.memref_slice %arg7[%dma_start3A_208, %dma_start3A_209] : memref<2x125xi32, #tpu.memory_space<vmem>> -> memref<1x125xi32, #tpu.memory_space<vmem>>
        %dma_start3A_211 = arith.constant 0 : i32
        %dma_start3A_212 = tpu.memref_slice %arg3[%dma_start3A_207, %add3A, %add3A_206, %dma_start3A_211] : memref<2x32x80x125xi32, #tpu.memory_space<hbm>> -> memref<1x1x1x125xi32, #tpu.memory_space<hbm>>
        %dma_start3A_213 = tpu.memref_squeeze %dma_start3A_212 : memref<1x1x1x125xi32, #tpu.memory_space<hbm>> -> memref<1x125xi32, #tpu.memory_space<hbm>>
        %dma_start3A_214 = arith.constant 0 : i32
        %dma_start3A_215 = arith.constant 0 : i32
        %dma_start3A_216 = tpu.memref_slice %arg7[%dma_start3A_214, %dma_start3A_215] : memref<2x125xi32, #tpu.memory_space<vmem>> -> memref<1x125xi32, #tpu.memory_space<vmem>>
        %dma_start3A_217 = arith.constant 0 : i32
        %dma_start3A_218 = tpu.memref_slice %arg3[%dma_start3A_207, %add3A, %add3A_206, %dma_start3A_217] : memref<2x32x80x125xi32, #tpu.memory_space<hbm>> -> memref<1x1x1x125xi32, #tpu.memory_space<hbm>>
        %dma_start3A_219 = tpu.memref_squeeze %dma_start3A_218 : memref<1x1x1x125xi32, #tpu.memory_space<hbm>> -> memref<1x125xi32, #tpu.memory_space<hbm>>
        tpu.enqueue_dma source(%dma_start3A_219 : memref<1x125xi32, #tpu.memory_space<hbm>>) target(%dma_start3A_216 : memref<1x125xi32, #tpu.memory_space<vmem>>) target_semaphore(%arg11 : memref<!tpu.dma_semaphore, #tpu.memory_space<semaphore_mem>>)
      } else {
      }
      %add3A_113 = arith.constant 1 : i32
      %add3A_114 = arith.addi %mul3A_96, %add3A_113 : i32
      %dma_wait3A_115 = arith.constant 0 : i32
      %dma_wait3A_116 = arith.constant 1 : i32
      %dma_wait3A_117 = arith.constant 0 : i32
      %dma_wait3A_118 = tpu.memref_slice %arg7[%dma_wait3A_116, %dma_wait3A_117] : memref<2x125xi32, #tpu.memory_space<vmem>> -> memref<1x125xi32, #tpu.memory_space<vmem>>
      %dma_wait3A_119 = arith.constant 0 : i32
      %dma_wait3A_120 = tpu.memref_slice %arg3[%dma_wait3A_115, %add3A, %add3A_114, %dma_wait3A_119] : memref<2x32x80x125xi32, #tpu.memory_space<hbm>> -> memref<1x1x1x125xi32, #tpu.memory_space<hbm>>
      %dma_wait3A_121 = tpu.memref_squeeze %dma_wait3A_120 : memref<1x1x1x125xi32, #tpu.memory_space<hbm>> -> memref<1x125xi32, #tpu.memory_space<hbm>>
      %dma_wait3A_122 = arith.constant 1 : i32
      %dma_wait3A_123 = arith.constant 0 : i32
      %dma_wait3A_124 = tpu.memref_slice %arg7[%dma_wait3A_122, %dma_wait3A_123] : memref<2x125xi32, #tpu.memory_space<vmem>> -> memref<1x125xi32, #tpu.memory_space<vmem>>
      %dma_wait3A_125 = arith.constant 0 : i32
      %dma_wait3A_126 = tpu.memref_slice %arg3[%dma_wait3A_115, %add3A, %add3A_114, %dma_wait3A_125] : memref<2x32x80x125xi32, #tpu.memory_space<hbm>> -> memref<1x1x1x125xi32, #tpu.memory_space<hbm>>
      %dma_wait3A_127 = tpu.memref_squeeze %dma_wait3A_126 : memref<1x1x1x125xi32, #tpu.memory_space<hbm>> -> memref<1x125xi32, #tpu.memory_space<hbm>>
      tpu.wait_dma2 semaphore(%arg12 : memref<!tpu.dma_semaphore, #tpu.memory_space<semaphore_mem>>) src(%dma_wait3A_127 : memref<1x125xi32, #tpu.memory_space<hbm>>) dst(%dma_wait3A_124 : memref<1x125xi32, #tpu.memory_space<vmem>>)
      %gt3A = arith.constant 0 : i32
      %gt3A_128 = arith.cmpi sgt, %scan3A_94, %gt3A : i32
      %convert_element_type3A_129 = arith.extui %gt3A_128 : i1 to i32
      %cond3A_130 = arith.constant 0 : i32
      %cond3A_131 = arith.cmpi ne, %convert_element_type3A_129, %cond3A_130 : i32
      scf.if %cond3A_131 {
        %sub3A = arith.constant 1 : i32
        %sub3A_205 = arith.subi %mul3A_96, %sub3A : i32
        %dma_wait3A_206 = arith.constant 1 : i32
        %dma_wait3A_207 = arith.constant 0 : i32
        %dma_wait3A_208 = arith.constant 0 : i32
        %dma_wait3A_209 = tpu.memref_slice %arg8[%dma_wait3A_206, %dma_wait3A_207, %dma_wait3A_208] : memref<2x125x128xf32, #tpu.memory_space<vmem>> -> memref<1x125x128xf32, #tpu.memory_space<vmem>>
        %dma_wait3A_210 = tpu.memref_squeeze %dma_wait3A_209 : memref<1x125x128xf32, #tpu.memory_space<vmem>> -> memref<125x128xf32, #tpu.memory_space<vmem>>
        %dma_wait3A_211 = arith.constant 0 : i32
        %dma_wait3A_212 = tpu.memref_slice %arg6[%sub3A_205, %dma_wait3A_211] : memref<80x125xi32, #tpu.memory_space<vmem>> -> memref<1x125xi32, #tpu.memory_space<vmem>>
        %dma_wait3A_213 = tpu.memref_squeeze %dma_wait3A_212 : memref<1x125xi32, #tpu.memory_space<vmem>> -> memref<125xi32, #tpu.memory_space<vmem>>
        %dma_wait3A_214 = arith.constant 0 : i32
        %dma_wait3A_215 = arith.constant 0 : i32
        %dma_wait3A_216 = tpu.memref_slice %arg9[%dma_wait3A_214, %dma_wait3A_215] : memref<10240x128xf32, #tpu.memory_space<vmem_shared>> -> memref<10240x128xf32, #tpu.memory_space<vmem_shared>>
        tpu.wait_indirect_dma semaphore(%arg16 : memref<!tpu.dma_semaphore, #tpu.memory_space<semaphore_mem>>) src(%dma_wait3A_210 : memref<125x128xf32, #tpu.memory_space<vmem>>) dst(%dma_wait3A_216 : memref<10240x128xf32, #tpu.memory_space<vmem_shared>>)
      } else {
      }
      %dma_start3A_132 = arith.constant 1 : i32
      %dma_start3A_133 = arith.constant 1 : i32
      %dma_start3A_134 = arith.constant 0 : i32
      %dma_start3A_135 = arith.constant 0 : i32
      %dma_start3A_136 = tpu.memref_slice %arg8[%dma_start3A_133, %dma_start3A_134, %dma_start3A_135] : memref<2x125x128xf32, #tpu.memory_space<vmem>> -> memref<1x125x128xf32, #tpu.memory_space<vmem>>
      %dma_start3A_137 = tpu.memref_squeeze %dma_start3A_136 : memref<1x125x128xf32, #tpu.memory_space<vmem>> -> memref<125x128xf32, #tpu.memory_space<vmem>>
      %dma_start3A_138 = arith.constant 0 : i32
      %dma_start3A_139 = tpu.memref_slice %arg7[%dma_start3A_132, %dma_start3A_138] : memref<2x125xi32, #tpu.memory_space<vmem>> -> memref<1x125xi32, #tpu.memory_space<vmem>>
      %dma_start3A_140 = tpu.memref_squeeze %dma_start3A_139 : memref<1x125xi32, #tpu.memory_space<vmem>> -> memref<125xi32, #tpu.memory_space<vmem>>
      %dma_start3A_141 = arith.constant 0 : i32
      %dma_start3A_142 = arith.constant 0 : i32
      %dma_start3A_143 = tpu.memref_slice %arg2[%dma_start3A_141, %dma_start3A_142] : memref<10000x128xf32, #tpu.memory_space<hbm>> -> memref<10000x128xf32, #tpu.memory_space<hbm>>
      tpu.enqueue_indirect_dma source(%dma_start3A_143 : memref<10000x128xf32, #tpu.memory_space<hbm>>) target(%dma_start3A_137 : memref<125x128xf32, #tpu.memory_space<vmem>>) offsets(%dma_start3A_140 : memref<125xi32, #tpu.memory_space<vmem>>) semaphore(%arg14 : memref<!tpu.dma_semaphore, #tpu.memory_space<semaphore_mem>>)
      %dma_start3A_144 = arith.constant 0 : i32
      %dma_start3A_145 = arith.constant 0 : i32
      %dma_start3A_146 = arith.constant 0 : i32
      %dma_start3A_147 = tpu.memref_slice %arg8[%dma_start3A_144, %dma_start3A_145, %dma_start3A_146] : memref<2x125x128xf32, #tpu.memory_space<vmem>> -> memref<1x125x128xf32, #tpu.memory_space<vmem>>
      %dma_start3A_148 = tpu.memref_squeeze %dma_start3A_147 : memref<1x125x128xf32, #tpu.memory_space<vmem>> -> memref<125x128xf32, #tpu.memory_space<vmem>>
      %dma_start3A_149 = arith.constant 0 : i32
      %dma_start3A_150 = tpu.memref_slice %arg6[%mul3A_96, %dma_start3A_149] : memref<80x125xi32, #tpu.memory_space<vmem>> -> memref<1x125xi32, #tpu.memory_space<vmem>>
      %dma_start3A_151 = tpu.memref_squeeze %dma_start3A_150 : memref<1x125xi32, #tpu.memory_space<vmem>> -> memref<125xi32, #tpu.memory_space<vmem>>
      %dma_start3A_152 = arith.constant 0 : i32
      %dma_start3A_153 = arith.constant 0 : i32
      %dma_start3A_154 = tpu.memref_slice %arg9[%dma_start3A_152, %dma_start3A_153] : memref<10240x128xf32, #tpu.memory_space<vmem_shared>> -> memref<10240x128xf32, #tpu.memory_space<vmem_shared>>
      tpu.enqueue_indirect_dma source(%dma_start3A_148 : memref<125x128xf32, #tpu.memory_space<vmem>>) target(%dma_start3A_154 : memref<10240x128xf32, #tpu.memory_space<vmem_shared>>) offsets(%dma_start3A_151 : memref<125xi32, #tpu.memory_space<vmem>>) semaphore(%arg15 : memref<!tpu.dma_semaphore, #tpu.memory_space<semaphore_mem>>) {add = true}
      %dma_wait3A_155 = arith.constant 1 : i32
      %dma_wait3A_156 = arith.constant 1 : i32
      %dma_wait3A_157 = arith.constant 0 : i32
      %dma_wait3A_158 = arith.constant 0 : i32
      %dma_wait3A_159 = tpu.memref_slice %arg8[%dma_wait3A_156, %dma_wait3A_157, %dma_wait3A_158] : memref<2x125x128xf32, #tpu.memory_space<vmem>> -> memref<1x125x128xf32, #tpu.memory_space<vmem>>
      %dma_wait3A_160 = tpu.memref_squeeze %dma_wait3A_159 : memref<1x125x128xf32, #tpu.memory_space<vmem>> -> memref<125x128xf32, #tpu.memory_space<vmem>>
      %dma_wait3A_161 = arith.constant 0 : i32
      %dma_wait3A_162 = tpu.memref_slice %arg7[%dma_wait3A_155, %dma_wait3A_161] : memref<2x125xi32, #tpu.memory_space<vmem>> -> memref<1x125xi32, #tpu.memory_space<vmem>>
      %dma_wait3A_163 = tpu.memref_squeeze %dma_wait3A_162 : memref<1x125xi32, #tpu.memory_space<vmem>> -> memref<125xi32, #tpu.memory_space<vmem>>
      %dma_wait3A_164 = arith.constant 0 : i32
      %dma_wait3A_165 = arith.constant 0 : i32
      %dma_wait3A_166 = tpu.memref_slice %arg2[%dma_wait3A_164, %dma_wait3A_165] : memref<10000x128xf32, #tpu.memory_space<hbm>> -> memref<10000x128xf32, #tpu.memory_space<hbm>>
      tpu.wait_indirect_dma semaphore(%arg14 : memref<!tpu.dma_semaphore, #tpu.memory_space<semaphore_mem>>) src(%dma_wait3A_166 : memref<10000x128xf32, #tpu.memory_space<hbm>>) dst(%dma_wait3A_160 : memref<125x128xf32, #tpu.memory_space<vmem>>)
      %dma_wait3A_167 = arith.constant 0 : i32
      %dma_wait3A_168 = arith.constant 0 : i32
      %dma_wait3A_169 = arith.constant 0 : i32
      %dma_wait3A_170 = tpu.memref_slice %arg8[%dma_wait3A_167, %dma_wait3A_168, %dma_wait3A_169] : memref<2x125x128xf32, #tpu.memory_space<vmem>> -> memref<1x125x128xf32, #tpu.memory_space<vmem>>
      %dma_wait3A_171 = tpu.memref_squeeze %dma_wait3A_170 : memref<1x125x128xf32, #tpu.memory_space<vmem>> -> memref<125x128xf32, #tpu.memory_space<vmem>>
      %dma_wait3A_172 = arith.constant 0 : i32
      %dma_wait3A_173 = tpu.memref_slice %arg6[%mul3A_96, %dma_wait3A_172] : memref<80x125xi32, #tpu.memory_space<vmem>> -> memref<1x125xi32, #tpu.memory_space<vmem>>
      %dma_wait3A_174 = tpu.memref_squeeze %dma_wait3A_173 : memref<1x125xi32, #tpu.memory_space<vmem>> -> memref<125xi32, #tpu.memory_space<vmem>>
      %dma_wait3A_175 = arith.constant 0 : i32
      %dma_wait3A_176 = arith.constant 0 : i32
      %dma_wait3A_177 = tpu.memref_slice %arg9[%dma_wait3A_175, %dma_wait3A_176] : memref<10240x128xf32, #tpu.memory_space<vmem_shared>> -> memref<10240x128xf32, #tpu.memory_space<vmem_shared>>
      tpu.wait_indirect_dma semaphore(%arg15 : memref<!tpu.dma_semaphore, #tpu.memory_space<semaphore_mem>>) src(%dma_wait3A_171 : memref<125x128xf32, #tpu.memory_space<vmem>>) dst(%dma_wait3A_177 : memref<10240x128xf32, #tpu.memory_space<vmem_shared>>)
      %add3A_178 = arith.constant 2 : i32
      %add3A_179 = arith.addi %mul3A_96, %add3A_178 : i32
      %lt3A_180 = arith.constant 80 : i32
      %lt3A_181 = arith.cmpi slt, %add3A_179, %lt3A_180 : i32
      %convert_element_type3A_182 = arith.extui %lt3A_181 : i1 to i32
      %cond3A_183 = arith.constant 0 : i32
      %cond3A_184 = arith.cmpi ne, %convert_element_type3A_182, %cond3A_183 : i32
      scf.if %cond3A_184 {
        %add3A_205 = arith.constant 2 : i32
        %add3A_206 = arith.addi %mul3A_96, %add3A_205 : i32
        %dma_wait3A_207 = arith.constant 0 : i32
        %dma_wait3A_208 = arith.constant 0 : i32
        %dma_wait3A_209 = arith.constant 0 : i32
        %dma_wait3A_210 = tpu.memref_slice %arg7[%dma_wait3A_208, %dma_wait3A_209] : memref<2x125xi32, #tpu.memory_space<vmem>> -> memref<1x125xi32, #tpu.memory_space<vmem>>
        %dma_wait3A_211 = arith.constant 0 : i32
        %dma_wait3A_212 = tpu.memref_slice %arg3[%dma_wait3A_207, %add3A, %add3A_206, %dma_wait3A_211] : memref<2x32x80x125xi32, #tpu.memory_space<hbm>> -> memref<1x1x1x125xi32, #tpu.memory_space<hbm>>
        %dma_wait3A_213 = tpu.memref_squeeze %dma_wait3A_212 : memref<1x1x1x125xi32, #tpu.memory_space<hbm>> -> memref<1x125xi32, #tpu.memory_space<hbm>>
        %dma_wait3A_214 = arith.constant 0 : i32
        %dma_wait3A_215 = arith.constant 0 : i32
        %dma_wait3A_216 = tpu.memref_slice %arg7[%dma_wait3A_214, %dma_wait3A_215] : memref<2x125xi32, #tpu.memory_space<vmem>> -> memref<1x125xi32, #tpu.memory_space<vmem>>
        %dma_wait3A_217 = arith.constant 0 : i32
        %dma_wait3A_218 = tpu.memref_slice %arg3[%dma_wait3A_207, %add3A, %add3A_206, %dma_wait3A_217] : memref<2x32x80x125xi32, #tpu.memory_space<hbm>> -> memref<1x1x1x125xi32, #tpu.memory_space<hbm>>
        %dma_wait3A_219 = tpu.memref_squeeze %dma_wait3A_218 : memref<1x1x1x125xi32, #tpu.memory_space<hbm>> -> memref<1x125xi32, #tpu.memory_space<hbm>>
        tpu.wait_dma2 semaphore(%arg11 : memref<!tpu.dma_semaphore, #tpu.memory_space<semaphore_mem>>) src(%dma_wait3A_219 : memref<1x125xi32, #tpu.memory_space<hbm>>) dst(%dma_wait3A_216 : memref<1x125xi32, #tpu.memory_space<vmem>>)
        %dma_start3A_220 = arith.constant 0 : i32
        %dma_start3A_221 = arith.constant 0 : i32
        %dma_start3A_222 = arith.constant 0 : i32
        %dma_start3A_223 = arith.constant 0 : i32
        %dma_start3A_224 = tpu.memref_slice %arg8[%dma_start3A_221, %dma_start3A_222, %dma_start3A_223] : memref<2x125x128xf32, #tpu.memory_space<vmem>> -> memref<1x125x128xf32, #tpu.memory_space<vmem>>
        %dma_start3A_225 = tpu.memref_squeeze %dma_start3A_224 : memref<1x125x128xf32, #tpu.memory_space<vmem>> -> memref<125x128xf32, #tpu.memory_space<vmem>>
        %dma_start3A_226 = arith.constant 0 : i32
        %dma_start3A_227 = tpu.memref_slice %arg7[%dma_start3A_220, %dma_start3A_226] : memref<2x125xi32, #tpu.memory_space<vmem>> -> memref<1x125xi32, #tpu.memory_space<vmem>>
        %dma_start3A_228 = tpu.memref_squeeze %dma_start3A_227 : memref<1x125xi32, #tpu.memory_space<vmem>> -> memref<125xi32, #tpu.memory_space<vmem>>
        %dma_start3A_229 = arith.constant 0 : i32
        %dma_start3A_230 = arith.constant 0 : i32
        %dma_start3A_231 = tpu.memref_slice %arg2[%dma_start3A_229, %dma_start3A_230] : memref<10000x128xf32, #tpu.memory_space<hbm>> -> memref<10000x128xf32, #tpu.memory_space<hbm>>
        tpu.enqueue_indirect_dma source(%dma_start3A_231 : memref<10000x128xf32, #tpu.memory_space<hbm>>) target(%dma_start3A_225 : memref<125x128xf32, #tpu.memory_space<vmem>>) offsets(%dma_start3A_228 : memref<125xi32, #tpu.memory_space<vmem>>) semaphore(%arg13 : memref<!tpu.dma_semaphore, #tpu.memory_space<semaphore_mem>>)
      } else {
      }
      %add3A_185 = arith.constant 1 : i32
      %add3A_186 = arith.addi %mul3A_96, %add3A_185 : i32
      %dma_start3A_187 = arith.constant 1 : i32
      %dma_start3A_188 = arith.constant 0 : i32
      %dma_start3A_189 = arith.constant 0 : i32
      %dma_start3A_190 = tpu.memref_slice %arg8[%dma_start3A_187, %dma_start3A_188, %dma_start3A_189] : memref<2x125x128xf32, #tpu.memory_space<vmem>> -> memref<1x125x128xf32, #tpu.memory_space<vmem>>
      %dma_start3A_191 = tpu.memref_squeeze %dma_start3A_190 : memref<1x125x128xf32, #tpu.memory_space<vmem>> -> memref<125x128xf32, #tpu.memory_space<vmem>>
      %dma_start3A_192 = arith.constant 0 : i32
      %dma_start3A_193 = tpu.memref_slice %arg6[%add3A_186, %dma_start3A_192] : memref<80x125xi32, #tpu.memory_space<vmem>> -> memref<1x125xi32, #tpu.memory_space<vmem>>
      %dma_start3A_194 = tpu.memref_squeeze %dma_start3A_193 : memref<1x125xi32, #tpu.memory_space<vmem>> -> memref<125xi32, #tpu.memory_space<vmem>>
      %dma_start3A_195 = arith.constant 0 : i32
      %dma_start3A_196 = arith.constant 0 : i32
      %dma_start3A_197 = tpu.memref_slice %arg9[%dma_start3A_195, %dma_start3A_196] : memref<10240x128xf32, #tpu.memory_space<vmem_shared>> -> memref<10240x128xf32, #tpu.memory_space<vmem_shared>>
      tpu.enqueue_indirect_dma source(%dma_start3A_191 : memref<125x128xf32, #tpu.memory_space<vmem>>) target(%dma_start3A_197 : memref<10240x128xf32, #tpu.memory_space<vmem_shared>>) offsets(%dma_start3A_194 : memref<125xi32, #tpu.memory_space<vmem>>) semaphore(%arg16 : memref<!tpu.dma_semaphore, #tpu.memory_space<semaphore_mem>>) {add = true}
      %add3A_198 = arith.constant 3 : i32
      %add3A_199 = arith.addi %mul3A_96, %add3A_198 : i32
      %lt3A_200 = arith.constant 80 : i32
      %lt3A_201 = arith.cmpi slt, %add3A_199, %lt3A_200 : i32
      %convert_element_type3A_202 = arith.extui %lt3A_201 : i1 to i32
      %cond3A_203 = arith.constant 0 : i32
      %cond3A_204 = arith.cmpi ne, %convert_element_type3A_202, %cond3A_203 : i32
      scf.if %cond3A_204 {
        %add3A_205 = arith.constant 3 : i32
        %add3A_206 = arith.addi %mul3A_96, %add3A_205 : i32
        %dma_start3A_207 = arith.constant 0 : i32
        %dma_start3A_208 = arith.constant 1 : i32
        %dma_start3A_209 = arith.constant 0 : i32
        %dma_start3A_210 = tpu.memref_slice %arg7[%dma_start3A_208, %dma_start3A_209] : memref<2x125xi32, #tpu.memory_space<vmem>> -> memref<1x125xi32, #tpu.memory_space<vmem>>
        %dma_start3A_211 = arith.constant 0 : i32
        %dma_start3A_212 = tpu.memref_slice %arg3[%dma_start3A_207, %add3A, %add3A_206, %dma_start3A_211] : memref<2x32x80x125xi32, #tpu.memory_space<hbm>> -> memref<1x1x1x125xi32, #tpu.memory_space<hbm>>
        %dma_start3A_213 = tpu.memref_squeeze %dma_start3A_212 : memref<1x1x1x125xi32, #tpu.memory_space<hbm>> -> memref<1x125xi32, #tpu.memory_space<hbm>>
        %dma_start3A_214 = arith.constant 1 : i32
        %dma_start3A_215 = arith.constant 0 : i32
        %dma_start3A_216 = tpu.memref_slice %arg7[%dma_start3A_214, %dma_start3A_215] : memref<2x125xi32, #tpu.memory_space<vmem>> -> memref<1x125xi32, #tpu.memory_space<vmem>>
        %dma_start3A_217 = arith.constant 0 : i32
        %dma_start3A_218 = tpu.memref_slice %arg3[%dma_start3A_207, %add3A, %add3A_206, %dma_start3A_217] : memref<2x32x80x125xi32, #tpu.memory_space<hbm>> -> memref<1x1x1x125xi32, #tpu.memory_space<hbm>>
        %dma_start3A_219 = tpu.memref_squeeze %dma_start3A_218 : memref<1x1x1x125xi32, #tpu.memory_space<hbm>> -> memref<1x125xi32, #tpu.memory_space<hbm>>
        tpu.enqueue_dma source(%dma_start3A_219 : memref<1x125xi32, #tpu.memory_space<hbm>>) target(%dma_start3A_216 : memref<1x125xi32, #tpu.memory_space<vmem>>) target_semaphore(%arg12 : memref<!tpu.dma_semaphore, #tpu.memory_space<semaphore_mem>>)
      } else {
      }
    }
    %scan3A_76 = arith.constant 40 : i32
    %dma_wait3A_77 = arith.constant 1 : i32
    %dma_wait3A_78 = arith.constant 79 : i32
    %dma_wait3A_79 = arith.constant 0 : i32
    %dma_wait3A_80 = arith.constant 0 : i32
    %dma_wait3A_81 = tpu.memref_slice %arg8[%dma_wait3A_77, %dma_wait3A_79, %dma_wait3A_80] : memref<2x125x128xf32, #tpu.memory_space<vmem>> -> memref<1x125x128xf32, #tpu.memory_space<vmem>>
    %dma_wait3A_82 = tpu.memref_squeeze %dma_wait3A_81 : memref<1x125x128xf32, #tpu.memory_space<vmem>> -> memref<125x128xf32, #tpu.memory_space<vmem>>
    %dma_wait3A_83 = arith.constant 0 : i32
    %dma_wait3A_84 = tpu.memref_slice %arg6[%dma_wait3A_78, %dma_wait3A_83] : memref<80x125xi32, #tpu.memory_space<vmem>> -> memref<1x125xi32, #tpu.memory_space<vmem>>
    %dma_wait3A_85 = tpu.memref_squeeze %dma_wait3A_84 : memref<1x125xi32, #tpu.memory_space<vmem>> -> memref<125xi32, #tpu.memory_space<vmem>>
    %dma_wait3A_86 = arith.constant 0 : i32
    %dma_wait3A_87 = arith.constant 0 : i32
    %dma_wait3A_88 = tpu.memref_slice %arg9[%dma_wait3A_86, %dma_wait3A_87] : memref<10240x128xf32, #tpu.memory_space<vmem_shared>> -> memref<10240x128xf32, #tpu.memory_space<vmem_shared>>
    tpu.wait_indirect_dma semaphore(%arg16 : memref<!tpu.dma_semaphore, #tpu.memory_space<semaphore_mem>>) src(%dma_wait3A_82 : memref<125x128xf32, #tpu.memory_space<vmem>>) dst(%dma_wait3A_88 : memref<10240x128xf32, #tpu.memory_space<vmem_shared>>)
    %barrier3A_89 = arith.constant 0 : index
    tpu.barrier barrier_id(%barrier3A_89)
    %mul3A_90 = arith.constant 640 : i32
    %mul3A_91 = arith.muli %arg1, %mul3A_90 : i32
    %mul3A_92 = arith.constant 640 : i32
    %mul3A_93 = arith.muli %arg1, %mul3A_92 : i32
    "tpu.region"() ({
      %run_scoped3A_94 = tpu.sem_alloc : memref<!tpu.dma_semaphore, #tpu.memory_space<semaphore_mem>>
      %dma_start3A_95 = arith.constant 0 : i32
      %dma_start3A_96 = tpu.memref_slice %arg5[%arg0, %mul3A_93, %dma_start3A_95] : memref<2x10240x128xf32, #tpu.memory_space<hbm>> -> memref<1x640x128xf32, #tpu.memory_space<hbm>>
      %dma_start3A_97 = tpu.memref_squeeze %dma_start3A_96 : memref<1x640x128xf32, #tpu.memory_space<hbm>> -> memref<640x128xf32, #tpu.memory_space<hbm>>
      %dma_start3A_98 = arith.constant 0 : i32
      %dma_start3A_99 = tpu.memref_slice %arg9[%mul3A_91, %dma_start3A_98] : memref<10240x128xf32, #tpu.memory_space<vmem_shared>> -> memref<640x128xf32, #tpu.memory_space<vmem_shared>>
      tpu.enqueue_dma source(%dma_start3A_99 : memref<640x128xf32, #tpu.memory_space<vmem_shared>>) target(%dma_start3A_97 : memref<640x128xf32, #tpu.memory_space<hbm>>) target_semaphore(%run_scoped3A_94 : memref<!tpu.dma_semaphore, #tpu.memory_space<semaphore_mem>>)
      %dma_wait3A_100 = arith.constant 0 : i32
      %dma_wait3A_101 = tpu.memref_slice %arg5[%arg0, %mul3A_93, %dma_wait3A_100] : memref<2x10240x128xf32, #tpu.memory_space<hbm>> -> memref<1x640x128xf32, #tpu.memory_space<hbm>>
      %dma_wait3A_102 = tpu.memref_squeeze %dma_wait3A_101 : memref<1x640x128xf32, #tpu.memory_space<hbm>> -> memref<640x128xf32, #tpu.memory_space<hbm>>
      %dma_wait3A_103 = arith.constant 0 : i32
      %dma_wait3A_104 = tpu.memref_slice %arg9[%mul3A_91, %dma_wait3A_103] : memref<10240x128xf32, #tpu.memory_space<vmem_shared>> -> memref<640x128xf32, #tpu.memory_space<vmem_shared>>
      tpu.wait_dma2 semaphore(%run_scoped3A_94 : memref<!tpu.dma_semaphore, #tpu.memory_space<semaphore_mem>>) src(%dma_wait3A_104 : memref<640x128xf32, #tpu.memory_space<vmem_shared>>) dst(%dma_wait3A_102 : memref<640x128xf32, #tpu.memory_space<hbm>>)
      tpu.yield
    }) : () -> ()
    return
  }
}

#map = affine_map<(d0, d1) -> (0, 0)>
#map1 = affine_map<(d0, d1) -> (0, 0, 0, 0)>
#map2 = affine_map<(d0, d1) -> (0, 0, 0)>
module attributes {stable_mosaic.version = 14 : i64} {
  func.func @_edge_kernel(%arg0: i32, %arg1: i32, %arg2: memref<10000x128xf32, #tpu.memory_space<hbm>>, %arg3: memref<2x32x80x125xi32, #tpu.memory_space<hbm>>, %arg4: memref<10240x128xf32, #tpu.memory_space<hbm>>, %arg5: memref<2x10240x128xf32, #tpu.memory_space<hbm>>, %arg6: memref<80x125xi32, #tpu.memory_space<vmem>>, %arg7: memref<2x125xi32, #tpu.memory_space<vmem>>, %arg8: memref<2x125x128xf32, #tpu.memory_space<vmem>>, %arg9: memref<10240x128xf32, #tpu.memory_space<vmem_shared>>, %arg10: memref<!tpu.dma_semaphore, #tpu.memory_space<semaphore_mem>>, %arg11: memref<!tpu.dma_semaphore, #tpu.memory_space<semaphore_mem>>, %arg12: memref<!tpu.dma_semaphore, #tpu.memory_space<semaphore_mem>>, %arg13: memref<!tpu.dma_semaphore, #tpu.memory_space<semaphore_mem>>, %arg14: memref<!tpu.dma_semaphore, #tpu.memory_space<semaphore_mem>>, %arg15: memref<!tpu.dma_semaphore, #tpu.memory_space<semaphore_mem>>, %arg16: memref<!tpu.dma_semaphore, #tpu.memory_space<semaphore_mem>>) attributes {dimension_semantics = [#tpu.dimension_semantics<core_parallel>, #tpu.dimension_semantics<subcore_parallel>], iteration_bounds = array<i64: 2, 16>, scalar_prefetch = 0 : i64, scratch_operands = 11 : i64, tpu.core_type = #tpu.core_type<sc_vector_subcore>, window_params = [{transform_indices = #map}, {transform_indices = #map1}, {transform_indices = #map}, {transform_indices = #map2}]} {
    %mul3A = arith.constant 16 : i32
    %mul3A_0 = arith.muli %arg0, %mul3A : i32
    %add3A = arith.addi %mul3A_0, %arg1 : i32
    %mul3A_1 = arith.constant 640 : i32
    %mul3A_2 = arith.muli %arg1, %mul3A_1 : i32
    %mul3A_3 = arith.constant 640 : i32
    %mul3A_4 = arith.muli %arg1, %mul3A_3 : i32
    %dma_start3A = arith.constant 0 : i32
    %dma_start3A_5 = tpu.memref_slice %arg9[%mul3A_4, %dma_start3A] : memref<10240x128xf32, #tpu.memory_space<vmem_shared>> -> memref<640x128xf32, #tpu.memory_space<vmem_shared>>
    %dma_start3A_6 = arith.constant 0 : i32
    %dma_start3A_7 = tpu.memref_slice %arg4[%mul3A_2, %dma_start3A_6] : memref<10240x128xf32, #tpu.memory_space<hbm>> -> memref<640x128xf32, #tpu.memory_space<hbm>>
    tpu.enqueue_dma source(%dma_start3A_7 : memref<640x128xf32, #tpu.memory_space<hbm>>) target(%dma_start3A_5 : memref<640x128xf32, #tpu.memory_space<vmem_shared>>) target_semaphore(%arg10 : memref<!tpu.dma_semaphore, #tpu.memory_space<semaphore_mem>>)
    %run_scoped3A = arith.constant 1 : i32
    "tpu.region"() ({
      %run_scoped3A_94 = tpu.sem_alloc : memref<!tpu.dma_semaphore, #tpu.memory_space<semaphore_mem>>
      %dma_start3A_95 = arith.constant 0 : i32
      %dma_start3A_96 = arith.constant 0 : i32
      %dma_start3A_97 = tpu.memref_slice %arg3[%run_scoped3A, %add3A, %dma_start3A_95, %dma_start3A_96] : memref<2x32x80x125xi32, #tpu.memory_space<hbm>> -> memref<1x1x80x125xi32, #tpu.memory_space<hbm>>
      %dma_start3A_98 = tpu.memref_squeeze %dma_start3A_97 : memref<1x1x80x125xi32, #tpu.memory_space<hbm>> -> memref<80x125xi32, #tpu.memory_space<hbm>>
      %dma_start3A_99 = arith.constant 0 : i32
      %dma_start3A_100 = arith.constant 0 : i32
      %dma_start3A_101 = tpu.memref_slice %arg3[%run_scoped3A, %add3A, %dma_start3A_99, %dma_start3A_100] : memref<2x32x80x125xi32, #tpu.memory_space<hbm>> -> memref<1x1x80x125xi32, #tpu.memory_space<hbm>>
      %dma_start3A_102 = tpu.memref_squeeze %dma_start3A_101 : memref<1x1x80x125xi32, #tpu.memory_space<hbm>> -> memref<80x125xi32, #tpu.memory_space<hbm>>
      tpu.enqueue_dma source(%dma_start3A_102 : memref<80x125xi32, #tpu.memory_space<hbm>>) target(%arg6 : memref<80x125xi32, #tpu.memory_space<vmem>>) target_semaphore(%run_scoped3A_94 : memref<!tpu.dma_semaphore, #tpu.memory_space<semaphore_mem>>)
      %dma_wait3A_103 = arith.constant 0 : i32
      %dma_wait3A_104 = arith.constant 0 : i32
      %dma_wait3A_105 = tpu.memref_slice %arg3[%run_scoped3A, %add3A, %dma_wait3A_103, %dma_wait3A_104] : memref<2x32x80x125xi32, #tpu.memory_space<hbm>> -> memref<1x1x80x125xi32, #tpu.memory_space<hbm>>
      %dma_wait3A_106 = tpu.memref_squeeze %dma_wait3A_105 : memref<1x1x80x125xi32, #tpu.memory_space<hbm>> -> memref<80x125xi32, #tpu.memory_space<hbm>>
      %dma_wait3A_107 = arith.constant 0 : i32
      %dma_wait3A_108 = arith.constant 0 : i32
      %dma_wait3A_109 = tpu.memref_slice %arg3[%run_scoped3A, %add3A, %dma_wait3A_107, %dma_wait3A_108] : memref<2x32x80x125xi32, #tpu.memory_space<hbm>> -> memref<1x1x80x125xi32, #tpu.memory_space<hbm>>
      %dma_wait3A_110 = tpu.memref_squeeze %dma_wait3A_109 : memref<1x1x80x125xi32, #tpu.memory_space<hbm>> -> memref<80x125xi32, #tpu.memory_space<hbm>>
      tpu.wait_dma2 semaphore(%run_scoped3A_94 : memref<!tpu.dma_semaphore, #tpu.memory_space<semaphore_mem>>) src(%dma_wait3A_110 : memref<80x125xi32, #tpu.memory_space<hbm>>) dst(%arg6 : memref<80x125xi32, #tpu.memory_space<vmem>>)
      tpu.yield
    }) : () -> ()
    %dma_start3A_8 = arith.constant 0 : i32
    %dma_start3A_9 = arith.constant 0 : i32
    %dma_start3A_10 = arith.constant 0 : i32
    %dma_start3A_11 = tpu.memref_slice %arg7[%dma_start3A_9, %dma_start3A_10] : memref<2x125xi32, #tpu.memory_space<vmem>> -> memref<1x125xi32, #tpu.memory_space<vmem>>
    %dma_start3A_12 = arith.constant 0 : i32
    %dma_start3A_13 = arith.constant 0 : i32
    %dma_start3A_14 = tpu.memref_slice %arg3[%dma_start3A_8, %add3A, %dma_start3A_12, %dma_start3A_13] : memref<2x32x80x125xi32, #tpu.memory_space<hbm>> -> memref<1x1x1x125xi32, #tpu.memory_space<hbm>>
    %dma_start3A_15 = tpu.memref_squeeze %dma_start3A_14 : memref<1x1x1x125xi32, #tpu.memory_space<hbm>> -> memref<1x125xi32, #tpu.memory_space<hbm>>
    %dma_start3A_16 = arith.constant 0 : i32
    %dma_start3A_17 = arith.constant 0 : i32
    %dma_start3A_18 = tpu.memref_slice %arg7[%dma_start3A_16, %dma_start3A_17] : memref<2x125xi32, #tpu.memory_space<vmem>> -> memref<1x125xi32, #tpu.memory_space<vmem>>
    %dma_start3A_19 = arith.constant 0 : i32
    %dma_start3A_20 = arith.constant 0 : i32
    %dma_start3A_21 = tpu.memref_slice %arg3[%dma_start3A_8, %add3A, %dma_start3A_19, %dma_start3A_20] : memref<2x32x80x125xi32, #tpu.memory_space<hbm>> -> memref<1x1x1x125xi32, #tpu.memory_space<hbm>>
    %dma_start3A_22 = tpu.memref_squeeze %dma_start3A_21 : memref<1x1x1x125xi32, #tpu.memory_space<hbm>> -> memref<1x125xi32, #tpu.memory_space<hbm>>
    tpu.enqueue_dma source(%dma_start3A_22 : memref<1x125xi32, #tpu.memory_space<hbm>>) target(%dma_start3A_18 : memref<1x125xi32, #tpu.memory_space<vmem>>) target_semaphore(%arg11 : memref<!tpu.dma_semaphore, #tpu.memory_space<semaphore_mem>>)
    %dma_start3A_23 = arith.constant 0 : i32
    %dma_start3A_24 = arith.constant 1 : i32
    %dma_start3A_25 = arith.constant 0 : i32
    %dma_start3A_26 = tpu.memref_slice %arg7[%dma_start3A_24, %dma_start3A_25] : memref<2x125xi32, #tpu.memory_space<vmem>> -> memref<1x125xi32, #tpu.memory_space<vmem>>
    %dma_start3A_27 = arith.constant 1 : i32
    %dma_start3A_28 = arith.constant 0 : i32
    %dma_start3A_29 = tpu.memref_slice %arg3[%dma_start3A_23, %add3A, %dma_start3A_27, %dma_start3A_28] : memref<2x32x80x125xi32, #tpu.memory_space<hbm>> -> memref<1x1x1x125xi32, #tpu.memory_space<hbm>>
    %dma_start3A_30 = tpu.memref_squeeze %dma_start3A_29 : memref<1x1x1x125xi32, #tpu.memory_space<hbm>> -> memref<1x125xi32, #tpu.memory_space<hbm>>
    %dma_start3A_31 = arith.constant 1 : i32
    %dma_start3A_32 = arith.constant 0 : i32
    %dma_start3A_33 = tpu.memref_slice %arg7[%dma_start3A_31, %dma_start3A_32] : memref<2x125xi32, #tpu.memory_space<vmem>> -> memref<1x125xi32, #tpu.memory_space<vmem>>
    %dma_start3A_34 = arith.constant 1 : i32
    %dma_start3A_35 = arith.constant 0 : i32
    %dma_start3A_36 = tpu.memref_slice %arg3[%dma_start3A_23, %add3A, %dma_start3A_34, %dma_start3A_35] : memref<2x32x80x125xi32, #tpu.memory_space<hbm>> -> memref<1x1x1x125xi32, #tpu.memory_space<hbm>>
    %dma_start3A_37 = tpu.memref_squeeze %dma_start3A_36 : memref<1x1x1x125xi32, #tpu.memory_space<hbm>> -> memref<1x125xi32, #tpu.memory_space<hbm>>
    tpu.enqueue_dma source(%dma_start3A_37 : memref<1x125xi32, #tpu.memory_space<hbm>>) target(%dma_start3A_33 : memref<1x125xi32, #tpu.memory_space<vmem>>) target_semaphore(%arg12 : memref<!tpu.dma_semaphore, #tpu.memory_space<semaphore_mem>>)
    %dma_wait3A = arith.constant 0 : i32
    %dma_wait3A_38 = arith.constant 0 : i32
    %dma_wait3A_39 = arith.constant 0 : i32
    %dma_wait3A_40 = tpu.memref_slice %arg7[%dma_wait3A_38, %dma_wait3A_39] : memref<2x125xi32, #tpu.memory_space<vmem>> -> memref<1x125xi32, #tpu.memory_space<vmem>>
    %dma_wait3A_41 = arith.constant 0 : i32
    %dma_wait3A_42 = arith.constant 0 : i32
    %dma_wait3A_43 = tpu.memref_slice %arg3[%dma_wait3A, %add3A, %dma_wait3A_41, %dma_wait3A_42] : memref<2x32x80x125xi32, #tpu.memory_space<hbm>> -> memref<1x1x1x125xi32, #tpu.memory_space<hbm>>
    %dma_wait3A_44 = tpu.memref_squeeze %dma_wait3A_43 : memref<1x1x1x125xi32, #tpu.memory_space<hbm>> -> memref<1x125xi32, #tpu.memory_space<hbm>>
    %dma_wait3A_45 = arith.constant 0 : i32
    %dma_wait3A_46 = arith.constant 0 : i32
    %dma_wait3A_47 = tpu.memref_slice %arg7[%dma_wait3A_45, %dma_wait3A_46] : memref<2x125xi32, #tpu.memory_space<vmem>> -> memref<1x125xi32, #tpu.memory_space<vmem>>
    %dma_wait3A_48 = arith.constant 0 : i32
    %dma_wait3A_49 = arith.constant 0 : i32
    %dma_wait3A_50 = tpu.memref_slice %arg3[%dma_wait3A, %add3A, %dma_wait3A_48, %dma_wait3A_49] : memref<2x32x80x125xi32, #tpu.memory_space<hbm>> -> memref<1x1x1x125xi32, #tpu.memory_space<hbm>>
    %dma_wait3A_51 = tpu.memref_squeeze %dma_wait3A_50 : memref<1x1x1x125xi32, #tpu.memory_space<hbm>> -> memref<1x125xi32, #tpu.memory_space<hbm>>
    tpu.wait_dma2 semaphore(%arg11 : memref<!tpu.dma_semaphore, #tpu.memory_space<semaphore_mem>>) src(%dma_wait3A_51 : memref<1x125xi32, #tpu.memory_space<hbm>>) dst(%dma_wait3A_47 : memref<1x125xi32, #tpu.memory_space<vmem>>)
    %dma_start3A_52 = arith.constant 0 : i32
    %dma_start3A_53 = arith.constant 0 : i32
    %dma_start3A_54 = arith.constant 0 : i32
    %dma_start3A_55 = arith.constant 0 : i32
    %dma_start3A_56 = tpu.memref_slice %arg8[%dma_start3A_53, %dma_start3A_54, %dma_start3A_55] : memref<2x125x128xf32, #tpu.memory_space<vmem>> -> memref<1x125x128xf32, #tpu.memory_space<vmem>>
    %dma_start3A_57 = tpu.memref_squeeze %dma_start3A_56 : memref<1x125x128xf32, #tpu.memory_space<vmem>> -> memref<125x128xf32, #tpu.memory_space<vmem>>
    %dma_start3A_58 = arith.constant 0 : i32
    %dma_start3A_59 = tpu.memref_slice %arg7[%dma_start3A_52, %dma_start3A_58] : memref<2x125xi32, #tpu.memory_space<vmem>> -> memref<1x125xi32, #tpu.memory_space<vmem>>
    %dma_start3A_60 = tpu.memref_squeeze %dma_start3A_59 : memref<1x125xi32, #tpu.memory_space<vmem>> -> memref<125xi32, #tpu.memory_space<vmem>>
    %dma_start3A_61 = arith.constant 0 : i32
    %dma_start3A_62 = arith.constant 0 : i32
    %dma_start3A_63 = tpu.memref_slice %arg2[%dma_start3A_61, %dma_start3A_62] : memref<10000x128xf32, #tpu.memory_space<hbm>> -> memref<10000x128xf32, #tpu.memory_space<hbm>>
    tpu.enqueue_indirect_dma source(%dma_start3A_63 : memref<10000x128xf32, #tpu.memory_space<hbm>>) target(%dma_start3A_57 : memref<125x128xf32, #tpu.memory_space<vmem>>) offsets(%dma_start3A_60 : memref<125xi32, #tpu.memory_space<vmem>>) semaphore(%arg13 : memref<!tpu.dma_semaphore, #tpu.memory_space<semaphore_mem>>)
    %mul3A_64 = arith.constant 640 : i32
    %mul3A_65 = arith.muli %arg1, %mul3A_64 : i32
    %mul3A_66 = arith.constant 640 : i32
    %mul3A_67 = arith.muli %arg1, %mul3A_66 : i32
    %dma_wait3A_68 = arith.constant 0 : i32
    %dma_wait3A_69 = tpu.memref_slice %arg9[%mul3A_67, %dma_wait3A_68] : memref<10240x128xf32, #tpu.memory_space<vmem_shared>> -> memref<640x128xf32, #tpu.memory_space<vmem_shared>>
    %dma_wait3A_70 = arith.constant 0 : i32
    %dma_wait3A_71 = tpu.memref_slice %arg4[%mul3A_65, %dma_wait3A_70] : memref<10240x128xf32, #tpu.memory_space<hbm>> -> memref<640x128xf32, #tpu.memory_space<hbm>>
    tpu.wait_dma2 semaphore(%arg10 : memref<!tpu.dma_semaphore, #tpu.memory_space<semaphore_mem>>) src(%dma_wait3A_71 : memref<640x128xf32, #tpu.memory_space<hbm>>) dst(%dma_wait3A_69 : memref<640x128xf32, #tpu.memory_space<vmem_shared>>)
    %barrier3A = arith.constant 0 : index
    tpu.barrier barrier_id(%barrier3A)
    %scan3A = arith.constant 0 : i32
    %scan3A_72 = arith.constant 0 : i32
    %scan3A_73 = arith.constant 40 : i32
    %scan3A_74 = arith.addi %scan3A_72, %scan3A_73 : i32
    %scan3A_75 = arith.constant 1 : i32
    scf.for %scan3A_94 = %scan3A_72 to %scan3A_74 step %scan3A_75  : i32 {
      %mul3A_95 = arith.constant 2 : i32
      %mul3A_96 = arith.muli %mul3A_95, %scan3A_94 : i32
      %dma_wait3A_97 = arith.constant 0 : i32
      %dma_wait3A_98 = arith.constant 0 : i32
      %dma_wait3A_99 = arith.constant 0 : i32
      %dma_wait3A_100 = arith.constant 0 : i32
      %dma_wait3A_101 = tpu.memref_slice %arg8[%dma_wait3A_98, %dma_wait3A_99, %dma_wait3A_100] : memref<2x125x128xf32, #tpu.memory_space<vmem>> -> memref<1x125x128xf32, #tpu.memory_space<vmem>>
      %dma_wait3A_102 = tpu.memref_squeeze %dma_wait3A_101 : memref<1x125x128xf32, #tpu.memory_space<vmem>> -> memref<125x128xf32, #tpu.memory_space<vmem>>
      %dma_wait3A_103 = arith.constant 0 : i32
      %dma_wait3A_104 = tpu.memref_slice %arg7[%dma_wait3A_97, %dma_wait3A_103] : memref<2x125xi32, #tpu.memory_space<vmem>> -> memref<1x125xi32, #tpu.memory_space<vmem>>
      %dma_wait3A_105 = tpu.memref_squeeze %dma_wait3A_104 : memref<1x125xi32, #tpu.memory_space<vmem>> -> memref<125xi32, #tpu.memory_space<vmem>>
      %dma_wait3A_106 = arith.constant 0 : i32
      %dma_wait3A_107 = arith.constant 0 : i32
      %dma_wait3A_108 = tpu.memref_slice %arg2[%dma_wait3A_106, %dma_wait3A_107] : memref<10000x128xf32, #tpu.memory_space<hbm>> -> memref<10000x128xf32, #tpu.memory_space<hbm>>
      tpu.wait_indirect_dma semaphore(%arg13 : memref<!tpu.dma_semaphore, #tpu.memory_space<semaphore_mem>>) src(%dma_wait3A_108 : memref<10000x128xf32, #tpu.memory_space<hbm>>) dst(%dma_wait3A_102 : memref<125x128xf32, #tpu.memory_space<vmem>>)
      %add3A_109 = arith.constant 2 : i32
      %add3A_110 = arith.addi %mul3A_96, %add3A_109 : i32
      %lt3A = arith.constant 80 : i32
      %lt3A_111 = arith.cmpi slt, %add3A_110, %lt3A : i32
      %convert_element_type3A = arith.extui %lt3A_111 : i1 to i32
      %cond3A = arith.constant 0 : i32
      %cond3A_112 = arith.cmpi ne, %convert_element_type3A, %cond3A : i32
      scf.if %cond3A_112 {
        %add3A_205 = arith.constant 2 : i32
        %add3A_206 = arith.addi %mul3A_96, %add3A_205 : i32
        %dma_start3A_207 = arith.constant 0 : i32
        %dma_start3A_208 = arith.constant 0 : i32
        %dma_start3A_209 = arith.constant 0 : i32
        %dma_start3A_210 = tpu.memref_slice %arg7[%dma_start3A_208, %dma_start3A_209] : memref<2x125xi32, #tpu.memory_space<vmem>> -> memref<1x125xi32, #tpu.memory_space<vmem>>
        %dma_start3A_211 = arith.constant 0 : i32
        %dma_start3A_212 = tpu.memref_slice %arg3[%dma_start3A_207, %add3A, %add3A_206, %dma_start3A_211] : memref<2x32x80x125xi32, #tpu.memory_space<hbm>> -> memref<1x1x1x125xi32, #tpu.memory_space<hbm>>
        %dma_start3A_213 = tpu.memref_squeeze %dma_start3A_212 : memref<1x1x1x125xi32, #tpu.memory_space<hbm>> -> memref<1x125xi32, #tpu.memory_space<hbm>>
        %dma_start3A_214 = arith.constant 0 : i32
        %dma_start3A_215 = arith.constant 0 : i32
        %dma_start3A_216 = tpu.memref_slice %arg7[%dma_start3A_214, %dma_start3A_215] : memref<2x125xi32, #tpu.memory_space<vmem>> -> memref<1x125xi32, #tpu.memory_space<vmem>>
        %dma_start3A_217 = arith.constant 0 : i32
        %dma_start3A_218 = tpu.memref_slice %arg3[%dma_start3A_207, %add3A, %add3A_206, %dma_start3A_217] : memref<2x32x80x125xi32, #tpu.memory_space<hbm>> -> memref<1x1x1x125xi32, #tpu.memory_space<hbm>>
        %dma_start3A_219 = tpu.memref_squeeze %dma_start3A_218 : memref<1x1x1x125xi32, #tpu.memory_space<hbm>> -> memref<1x125xi32, #tpu.memory_space<hbm>>
        tpu.enqueue_dma source(%dma_start3A_219 : memref<1x125xi32, #tpu.memory_space<hbm>>) target(%dma_start3A_216 : memref<1x125xi32, #tpu.memory_space<vmem>>) target_semaphore(%arg11 : memref<!tpu.dma_semaphore, #tpu.memory_space<semaphore_mem>>)
      } else {
      }
      %add3A_113 = arith.constant 1 : i32
      %add3A_114 = arith.addi %mul3A_96, %add3A_113 : i32
      %dma_wait3A_115 = arith.constant 0 : i32
      %dma_wait3A_116 = arith.constant 1 : i32
      %dma_wait3A_117 = arith.constant 0 : i32
      %dma_wait3A_118 = tpu.memref_slice %arg7[%dma_wait3A_116, %dma_wait3A_117] : memref<2x125xi32, #tpu.memory_space<vmem>> -> memref<1x125xi32, #tpu.memory_space<vmem>>
      %dma_wait3A_119 = arith.constant 0 : i32
      %dma_wait3A_120 = tpu.memref_slice %arg3[%dma_wait3A_115, %add3A, %add3A_114, %dma_wait3A_119] : memref<2x32x80x125xi32, #tpu.memory_space<hbm>> -> memref<1x1x1x125xi32, #tpu.memory_space<hbm>>
      %dma_wait3A_121 = tpu.memref_squeeze %dma_wait3A_120 : memref<1x1x1x125xi32, #tpu.memory_space<hbm>> -> memref<1x125xi32, #tpu.memory_space<hbm>>
      %dma_wait3A_122 = arith.constant 1 : i32
      %dma_wait3A_123 = arith.constant 0 : i32
      %dma_wait3A_124 = tpu.memref_slice %arg7[%dma_wait3A_122, %dma_wait3A_123] : memref<2x125xi32, #tpu.memory_space<vmem>> -> memref<1x125xi32, #tpu.memory_space<vmem>>
      %dma_wait3A_125 = arith.constant 0 : i32
      %dma_wait3A_126 = tpu.memref_slice %arg3[%dma_wait3A_115, %add3A, %add3A_114, %dma_wait3A_125] : memref<2x32x80x125xi32, #tpu.memory_space<hbm>> -> memref<1x1x1x125xi32, #tpu.memory_space<hbm>>
      %dma_wait3A_127 = tpu.memref_squeeze %dma_wait3A_126 : memref<1x1x1x125xi32, #tpu.memory_space<hbm>> -> memref<1x125xi32, #tpu.memory_space<hbm>>
      tpu.wait_dma2 semaphore(%arg12 : memref<!tpu.dma_semaphore, #tpu.memory_space<semaphore_mem>>) src(%dma_wait3A_127 : memref<1x125xi32, #tpu.memory_space<hbm>>) dst(%dma_wait3A_124 : memref<1x125xi32, #tpu.memory_space<vmem>>)
      %gt3A = arith.constant 0 : i32
      %gt3A_128 = arith.cmpi sgt, %scan3A_94, %gt3A : i32
      %convert_element_type3A_129 = arith.extui %gt3A_128 : i1 to i32
      %cond3A_130 = arith.constant 0 : i32
      %cond3A_131 = arith.cmpi ne, %convert_element_type3A_129, %cond3A_130 : i32
      scf.if %cond3A_131 {
        %sub3A = arith.constant 1 : i32
        %sub3A_205 = arith.subi %mul3A_96, %sub3A : i32
        %dma_wait3A_206 = arith.constant 1 : i32
        %dma_wait3A_207 = arith.constant 0 : i32
        %dma_wait3A_208 = arith.constant 0 : i32
        %dma_wait3A_209 = tpu.memref_slice %arg8[%dma_wait3A_206, %dma_wait3A_207, %dma_wait3A_208] : memref<2x125x128xf32, #tpu.memory_space<vmem>> -> memref<1x125x128xf32, #tpu.memory_space<vmem>>
        %dma_wait3A_210 = tpu.memref_squeeze %dma_wait3A_209 : memref<1x125x128xf32, #tpu.memory_space<vmem>> -> memref<125x128xf32, #tpu.memory_space<vmem>>
        %dma_wait3A_211 = arith.constant 0 : i32
        %dma_wait3A_212 = tpu.memref_slice %arg6[%sub3A_205, %dma_wait3A_211] : memref<80x125xi32, #tpu.memory_space<vmem>> -> memref<1x125xi32, #tpu.memory_space<vmem>>
        %dma_wait3A_213 = tpu.memref_squeeze %dma_wait3A_212 : memref<1x125xi32, #tpu.memory_space<vmem>> -> memref<125xi32, #tpu.memory_space<vmem>>
        %dma_wait3A_214 = arith.constant 0 : i32
        %dma_wait3A_215 = arith.constant 0 : i32
        %dma_wait3A_216 = tpu.memref_slice %arg9[%dma_wait3A_214, %dma_wait3A_215] : memref<10240x128xf32, #tpu.memory_space<vmem_shared>> -> memref<10240x128xf32, #tpu.memory_space<vmem_shared>>
        tpu.wait_indirect_dma semaphore(%arg16 : memref<!tpu.dma_semaphore, #tpu.memory_space<semaphore_mem>>) src(%dma_wait3A_210 : memref<125x128xf32, #tpu.memory_space<vmem>>) dst(%dma_wait3A_216 : memref<10240x128xf32, #tpu.memory_space<vmem_shared>>)
      } else {
      }
      %dma_start3A_132 = arith.constant 1 : i32
      %dma_start3A_133 = arith.constant 1 : i32
      %dma_start3A_134 = arith.constant 0 : i32
      %dma_start3A_135 = arith.constant 0 : i32
      %dma_start3A_136 = tpu.memref_slice %arg8[%dma_start3A_133, %dma_start3A_134, %dma_start3A_135] : memref<2x125x128xf32, #tpu.memory_space<vmem>> -> memref<1x125x128xf32, #tpu.memory_space<vmem>>
      %dma_start3A_137 = tpu.memref_squeeze %dma_start3A_136 : memref<1x125x128xf32, #tpu.memory_space<vmem>> -> memref<125x128xf32, #tpu.memory_space<vmem>>
      %dma_start3A_138 = arith.constant 0 : i32
      %dma_start3A_139 = tpu.memref_slice %arg7[%dma_start3A_132, %dma_start3A_138] : memref<2x125xi32, #tpu.memory_space<vmem>> -> memref<1x125xi32, #tpu.memory_space<vmem>>
      %dma_start3A_140 = tpu.memref_squeeze %dma_start3A_139 : memref<1x125xi32, #tpu.memory_space<vmem>> -> memref<125xi32, #tpu.memory_space<vmem>>
      %dma_start3A_141 = arith.constant 0 : i32
      %dma_start3A_142 = arith.constant 0 : i32
      %dma_start3A_143 = tpu.memref_slice %arg2[%dma_start3A_141, %dma_start3A_142] : memref<10000x128xf32, #tpu.memory_space<hbm>> -> memref<10000x128xf32, #tpu.memory_space<hbm>>
      tpu.enqueue_indirect_dma source(%dma_start3A_143 : memref<10000x128xf32, #tpu.memory_space<hbm>>) target(%dma_start3A_137 : memref<125x128xf32, #tpu.memory_space<vmem>>) offsets(%dma_start3A_140 : memref<125xi32, #tpu.memory_space<vmem>>) semaphore(%arg14 : memref<!tpu.dma_semaphore, #tpu.memory_space<semaphore_mem>>)
      %dma_start3A_144 = arith.constant 0 : i32
      %dma_start3A_145 = arith.constant 0 : i32
      %dma_start3A_146 = arith.constant 0 : i32
      %dma_start3A_147 = tpu.memref_slice %arg8[%dma_start3A_144, %dma_start3A_145, %dma_start3A_146] : memref<2x125x128xf32, #tpu.memory_space<vmem>> -> memref<1x125x128xf32, #tpu.memory_space<vmem>>
      %dma_start3A_148 = tpu.memref_squeeze %dma_start3A_147 : memref<1x125x128xf32, #tpu.memory_space<vmem>> -> memref<125x128xf32, #tpu.memory_space<vmem>>
      %dma_start3A_149 = arith.constant 0 : i32
      %dma_start3A_150 = tpu.memref_slice %arg6[%mul3A_96, %dma_start3A_149] : memref<80x125xi32, #tpu.memory_space<vmem>> -> memref<1x125xi32, #tpu.memory_space<vmem>>
      %dma_start3A_151 = tpu.memref_squeeze %dma_start3A_150 : memref<1x125xi32, #tpu.memory_space<vmem>> -> memref<125xi32, #tpu.memory_space<vmem>>
      %dma_start3A_152 = arith.constant 0 : i32
      %dma_start3A_153 = arith.constant 0 : i32
      %dma_start3A_154 = tpu.memref_slice %arg9[%dma_start3A_152, %dma_start3A_153] : memref<10240x128xf32, #tpu.memory_space<vmem_shared>> -> memref<10240x128xf32, #tpu.memory_space<vmem_shared>>
      tpu.enqueue_indirect_dma source(%dma_start3A_148 : memref<125x128xf32, #tpu.memory_space<vmem>>) target(%dma_start3A_154 : memref<10240x128xf32, #tpu.memory_space<vmem_shared>>) offsets(%dma_start3A_151 : memref<125xi32, #tpu.memory_space<vmem>>) semaphore(%arg15 : memref<!tpu.dma_semaphore, #tpu.memory_space<semaphore_mem>>) {add = true}
      %dma_wait3A_155 = arith.constant 1 : i32
      %dma_wait3A_156 = arith.constant 1 : i32
      %dma_wait3A_157 = arith.constant 0 : i32
      %dma_wait3A_158 = arith.constant 0 : i32
      %dma_wait3A_159 = tpu.memref_slice %arg8[%dma_wait3A_156, %dma_wait3A_157, %dma_wait3A_158] : memref<2x125x128xf32, #tpu.memory_space<vmem>> -> memref<1x125x128xf32, #tpu.memory_space<vmem>>
      %dma_wait3A_160 = tpu.memref_squeeze %dma_wait3A_159 : memref<1x125x128xf32, #tpu.memory_space<vmem>> -> memref<125x128xf32, #tpu.memory_space<vmem>>
      %dma_wait3A_161 = arith.constant 0 : i32
      %dma_wait3A_162 = tpu.memref_slice %arg7[%dma_wait3A_155, %dma_wait3A_161] : memref<2x125xi32, #tpu.memory_space<vmem>> -> memref<1x125xi32, #tpu.memory_space<vmem>>
      %dma_wait3A_163 = tpu.memref_squeeze %dma_wait3A_162 : memref<1x125xi32, #tpu.memory_space<vmem>> -> memref<125xi32, #tpu.memory_space<vmem>>
      %dma_wait3A_164 = arith.constant 0 : i32
      %dma_wait3A_165 = arith.constant 0 : i32
      %dma_wait3A_166 = tpu.memref_slice %arg2[%dma_wait3A_164, %dma_wait3A_165] : memref<10000x128xf32, #tpu.memory_space<hbm>> -> memref<10000x128xf32, #tpu.memory_space<hbm>>
      tpu.wait_indirect_dma semaphore(%arg14 : memref<!tpu.dma_semaphore, #tpu.memory_space<semaphore_mem>>) src(%dma_wait3A_166 : memref<10000x128xf32, #tpu.memory_space<hbm>>) dst(%dma_wait3A_160 : memref<125x128xf32, #tpu.memory_space<vmem>>)
      %dma_wait3A_167 = arith.constant 0 : i32
      %dma_wait3A_168 = arith.constant 0 : i32
      %dma_wait3A_169 = arith.constant 0 : i32
      %dma_wait3A_170 = tpu.memref_slice %arg8[%dma_wait3A_167, %dma_wait3A_168, %dma_wait3A_169] : memref<2x125x128xf32, #tpu.memory_space<vmem>> -> memref<1x125x128xf32, #tpu.memory_space<vmem>>
      %dma_wait3A_171 = tpu.memref_squeeze %dma_wait3A_170 : memref<1x125x128xf32, #tpu.memory_space<vmem>> -> memref<125x128xf32, #tpu.memory_space<vmem>>
      %dma_wait3A_172 = arith.constant 0 : i32
      %dma_wait3A_173 = tpu.memref_slice %arg6[%mul3A_96, %dma_wait3A_172] : memref<80x125xi32, #tpu.memory_space<vmem>> -> memref<1x125xi32, #tpu.memory_space<vmem>>
      %dma_wait3A_174 = tpu.memref_squeeze %dma_wait3A_173 : memref<1x125xi32, #tpu.memory_space<vmem>> -> memref<125xi32, #tpu.memory_space<vmem>>
      %dma_wait3A_175 = arith.constant 0 : i32
      %dma_wait3A_176 = arith.constant 0 : i32
      %dma_wait3A_177 = tpu.memref_slice %arg9[%dma_wait3A_175, %dma_wait3A_176] : memref<10240x128xf32, #tpu.memory_space<vmem_shared>> -> memref<10240x128xf32, #tpu.memory_space<vmem_shared>>
      tpu.wait_indirect_dma semaphore(%arg15 : memref<!tpu.dma_semaphore, #tpu.memory_space<semaphore_mem>>) src(%dma_wait3A_171 : memref<125x128xf32, #tpu.memory_space<vmem>>) dst(%dma_wait3A_177 : memref<10240x128xf32, #tpu.memory_space<vmem_shared>>)
      %add3A_178 = arith.constant 2 : i32
      %add3A_179 = arith.addi %mul3A_96, %add3A_178 : i32
      %lt3A_180 = arith.constant 80 : i32
      %lt3A_181 = arith.cmpi slt, %add3A_179, %lt3A_180 : i32
      %convert_element_type3A_182 = arith.extui %lt3A_181 : i1 to i32
      %cond3A_183 = arith.constant 0 : i32
      %cond3A_184 = arith.cmpi ne, %convert_element_type3A_182, %cond3A_183 : i32
      scf.if %cond3A_184 {
        %add3A_205 = arith.constant 2 : i32
        %add3A_206 = arith.addi %mul3A_96, %add3A_205 : i32
        %dma_wait3A_207 = arith.constant 0 : i32
        %dma_wait3A_208 = arith.constant 0 : i32
        %dma_wait3A_209 = arith.constant 0 : i32
        %dma_wait3A_210 = tpu.memref_slice %arg7[%dma_wait3A_208, %dma_wait3A_209] : memref<2x125xi32, #tpu.memory_space<vmem>> -> memref<1x125xi32, #tpu.memory_space<vmem>>
        %dma_wait3A_211 = arith.constant 0 : i32
        %dma_wait3A_212 = tpu.memref_slice %arg3[%dma_wait3A_207, %add3A, %add3A_206, %dma_wait3A_211] : memref<2x32x80x125xi32, #tpu.memory_space<hbm>> -> memref<1x1x1x125xi32, #tpu.memory_space<hbm>>
        %dma_wait3A_213 = tpu.memref_squeeze %dma_wait3A_212 : memref<1x1x1x125xi32, #tpu.memory_space<hbm>> -> memref<1x125xi32, #tpu.memory_space<hbm>>
        %dma_wait3A_214 = arith.constant 0 : i32
        %dma_wait3A_215 = arith.constant 0 : i32
        %dma_wait3A_216 = tpu.memref_slice %arg7[%dma_wait3A_214, %dma_wait3A_215] : memref<2x125xi32, #tpu.memory_space<vmem>> -> memref<1x125xi32, #tpu.memory_space<vmem>>
        %dma_wait3A_217 = arith.constant 0 : i32
        %dma_wait3A_218 = tpu.memref_slice %arg3[%dma_wait3A_207, %add3A, %add3A_206, %dma_wait3A_217] : memref<2x32x80x125xi32, #tpu.memory_space<hbm>> -> memref<1x1x1x125xi32, #tpu.memory_space<hbm>>
        %dma_wait3A_219 = tpu.memref_squeeze %dma_wait3A_218 : memref<1x1x1x125xi32, #tpu.memory_space<hbm>> -> memref<1x125xi32, #tpu.memory_space<hbm>>
        tpu.wait_dma2 semaphore(%arg11 : memref<!tpu.dma_semaphore, #tpu.memory_space<semaphore_mem>>) src(%dma_wait3A_219 : memref<1x125xi32, #tpu.memory_space<hbm>>) dst(%dma_wait3A_216 : memref<1x125xi32, #tpu.memory_space<vmem>>)
        %dma_start3A_220 = arith.constant 0 : i32
        %dma_start3A_221 = arith.constant 0 : i32
        %dma_start3A_222 = arith.constant 0 : i32
        %dma_start3A_223 = arith.constant 0 : i32
        %dma_start3A_224 = tpu.memref_slice %arg8[%dma_start3A_221, %dma_start3A_222, %dma_start3A_223] : memref<2x125x128xf32, #tpu.memory_space<vmem>> -> memref<1x125x128xf32, #tpu.memory_space<vmem>>
        %dma_start3A_225 = tpu.memref_squeeze %dma_start3A_224 : memref<1x125x128xf32, #tpu.memory_space<vmem>> -> memref<125x128xf32, #tpu.memory_space<vmem>>
        %dma_start3A_226 = arith.constant 0 : i32
        %dma_start3A_227 = tpu.memref_slice %arg7[%dma_start3A_220, %dma_start3A_226] : memref<2x125xi32, #tpu.memory_space<vmem>> -> memref<1x125xi32, #tpu.memory_space<vmem>>
        %dma_start3A_228 = tpu.memref_squeeze %dma_start3A_227 : memref<1x125xi32, #tpu.memory_space<vmem>> -> memref<125xi32, #tpu.memory_space<vmem>>
        %dma_start3A_229 = arith.constant 0 : i32
        %dma_start3A_230 = arith.constant 0 : i32
        %dma_start3A_231 = tpu.memref_slice %arg2[%dma_start3A_229, %dma_start3A_230] : memref<10000x128xf32, #tpu.memory_space<hbm>> -> memref<10000x128xf32, #tpu.memory_space<hbm>>
        tpu.enqueue_indirect_dma source(%dma_start3A_231 : memref<10000x128xf32, #tpu.memory_space<hbm>>) target(%dma_start3A_225 : memref<125x128xf32, #tpu.memory_space<vmem>>) offsets(%dma_start3A_228 : memref<125xi32, #tpu.memory_space<vmem>>) semaphore(%arg13 : memref<!tpu.dma_semaphore, #tpu.memory_space<semaphore_mem>>)
      } else {
      }
      %add3A_185 = arith.constant 1 : i32
      %add3A_186 = arith.addi %mul3A_96, %add3A_185 : i32
      %dma_start3A_187 = arith.constant 1 : i32
      %dma_start3A_188 = arith.constant 0 : i32
      %dma_start3A_189 = arith.constant 0 : i32
      %dma_start3A_190 = tpu.memref_slice %arg8[%dma_start3A_187, %dma_start3A_188, %dma_start3A_189] : memref<2x125x128xf32, #tpu.memory_space<vmem>> -> memref<1x125x128xf32, #tpu.memory_space<vmem>>
      %dma_start3A_191 = tpu.memref_squeeze %dma_start3A_190 : memref<1x125x128xf32, #tpu.memory_space<vmem>> -> memref<125x128xf32, #tpu.memory_space<vmem>>
      %dma_start3A_192 = arith.constant 0 : i32
      %dma_start3A_193 = tpu.memref_slice %arg6[%add3A_186, %dma_start3A_192] : memref<80x125xi32, #tpu.memory_space<vmem>> -> memref<1x125xi32, #tpu.memory_space<vmem>>
      %dma_start3A_194 = tpu.memref_squeeze %dma_start3A_193 : memref<1x125xi32, #tpu.memory_space<vmem>> -> memref<125xi32, #tpu.memory_space<vmem>>
      %dma_start3A_195 = arith.constant 0 : i32
      %dma_start3A_196 = arith.constant 0 : i32
      %dma_start3A_197 = tpu.memref_slice %arg9[%dma_start3A_195, %dma_start3A_196] : memref<10240x128xf32, #tpu.memory_space<vmem_shared>> -> memref<10240x128xf32, #tpu.memory_space<vmem_shared>>
      tpu.enqueue_indirect_dma source(%dma_start3A_191 : memref<125x128xf32, #tpu.memory_space<vmem>>) target(%dma_start3A_197 : memref<10240x128xf32, #tpu.memory_space<vmem_shared>>) offsets(%dma_start3A_194 : memref<125xi32, #tpu.memory_space<vmem>>) semaphore(%arg16 : memref<!tpu.dma_semaphore, #tpu.memory_space<semaphore_mem>>) {add = true}
      %add3A_198 = arith.constant 3 : i32
      %add3A_199 = arith.addi %mul3A_96, %add3A_198 : i32
      %lt3A_200 = arith.constant 80 : i32
      %lt3A_201 = arith.cmpi slt, %add3A_199, %lt3A_200 : i32
      %convert_element_type3A_202 = arith.extui %lt3A_201 : i1 to i32
      %cond3A_203 = arith.constant 0 : i32
      %cond3A_204 = arith.cmpi ne, %convert_element_type3A_202, %cond3A_203 : i32
      scf.if %cond3A_204 {
        %add3A_205 = arith.constant 3 : i32
        %add3A_206 = arith.addi %mul3A_96, %add3A_205 : i32
        %dma_start3A_207 = arith.constant 0 : i32
        %dma_start3A_208 = arith.constant 1 : i32
        %dma_start3A_209 = arith.constant 0 : i32
        %dma_start3A_210 = tpu.memref_slice %arg7[%dma_start3A_208, %dma_start3A_209] : memref<2x125xi32, #tpu.memory_space<vmem>> -> memref<1x125xi32, #tpu.memory_space<vmem>>
        %dma_start3A_211 = arith.constant 0 : i32
        %dma_start3A_212 = tpu.memref_slice %arg3[%dma_start3A_207, %add3A, %add3A_206, %dma_start3A_211] : memref<2x32x80x125xi32, #tpu.memory_space<hbm>> -> memref<1x1x1x125xi32, #tpu.memory_space<hbm>>
        %dma_start3A_213 = tpu.memref_squeeze %dma_start3A_212 : memref<1x1x1x125xi32, #tpu.memory_space<hbm>> -> memref<1x125xi32, #tpu.memory_space<hbm>>
        %dma_start3A_214 = arith.constant 1 : i32
        %dma_start3A_215 = arith.constant 0 : i32
        %dma_start3A_216 = tpu.memref_slice %arg7[%dma_start3A_214, %dma_start3A_215] : memref<2x125xi32, #tpu.memory_space<vmem>> -> memref<1x125xi32, #tpu.memory_space<vmem>>
        %dma_start3A_217 = arith.constant 0 : i32
        %dma_start3A_218 = tpu.memref_slice %arg3[%dma_start3A_207, %add3A, %add3A_206, %dma_start3A_217] : memref<2x32x80x125xi32, #tpu.memory_space<hbm>> -> memref<1x1x1x125xi32, #tpu.memory_space<hbm>>
        %dma_start3A_219 = tpu.memref_squeeze %dma_start3A_218 : memref<1x1x1x125xi32, #tpu.memory_space<hbm>> -> memref<1x125xi32, #tpu.memory_space<hbm>>
        tpu.enqueue_dma source(%dma_start3A_219 : memref<1x125xi32, #tpu.memory_space<hbm>>) target(%dma_start3A_216 : memref<1x125xi32, #tpu.memory_space<vmem>>) target_semaphore(%arg12 : memref<!tpu.dma_semaphore, #tpu.memory_space<semaphore_mem>>)
      } else {
      }
    }
    %scan3A_76 = arith.constant 40 : i32
    %dma_wait3A_77 = arith.constant 1 : i32
    %dma_wait3A_78 = arith.constant 79 : i32
    %dma_wait3A_79 = arith.constant 0 : i32
    %dma_wait3A_80 = arith.constant 0 : i32
    %dma_wait3A_81 = tpu.memref_slice %arg8[%dma_wait3A_77, %dma_wait3A_79, %dma_wait3A_80] : memref<2x125x128xf32, #tpu.memory_space<vmem>> -> memref<1x125x128xf32, #tpu.memory_space<vmem>>
    %dma_wait3A_82 = tpu.memref_squeeze %dma_wait3A_81 : memref<1x125x128xf32, #tpu.memory_space<vmem>> -> memref<125x128xf32, #tpu.memory_space<vmem>>
    %dma_wait3A_83 = arith.constant 0 : i32
    %dma_wait3A_84 = tpu.memref_slice %arg6[%dma_wait3A_78, %dma_wait3A_83] : memref<80x125xi32, #tpu.memory_space<vmem>> -> memref<1x125xi32, #tpu.memory_space<vmem>>
    %dma_wait3A_85 = tpu.memref_squeeze %dma_wait3A_84 : memref<1x125xi32, #tpu.memory_space<vmem>> -> memref<125xi32, #tpu.memory_space<vmem>>
    %dma_wait3A_86 = arith.constant 0 : i32
    %dma_wait3A_87 = arith.constant 0 : i32
    %dma_wait3A_88 = tpu.memref_slice %arg9[%dma_wait3A_86, %dma_wait3A_87] : memref<10240x128xf32, #tpu.memory_space<vmem_shared>> -> memref<10240x128xf32, #tpu.memory_space<vmem_shared>>
    tpu.wait_indirect_dma semaphore(%arg16 : memref<!tpu.dma_semaphore, #tpu.memory_space<semaphore_mem>>) src(%dma_wait3A_82 : memref<125x128xf32, #tpu.memory_space<vmem>>) dst(%dma_wait3A_88 : memref<10240x128xf32, #tpu.memory_space<vmem_shared>>)
    %barrier3A_89 = arith.constant 0 : index
    tpu.barrier barrier_id(%barrier3A_89)
    %mul3A_90 = arith.constant 640 : i32
    %mul3A_91 = arith.muli %arg1, %mul3A_90 : i32
    %mul3A_92 = arith.constant 640 : i32
    %mul3A_93 = arith.muli %arg1, %mul3A_92 : i32
    "tpu.region"() ({
      %run_scoped3A_94 = tpu.sem_alloc : memref<!tpu.dma_semaphore, #tpu.memory_space<semaphore_mem>>
      %dma_start3A_95 = arith.constant 0 : i32
      %dma_start3A_96 = tpu.memref_slice %arg5[%arg0, %mul3A_93, %dma_start3A_95] : memref<2x10240x128xf32, #tpu.memory_space<hbm>> -> memref<1x640x128xf32, #tpu.memory_space<hbm>>
      %dma_start3A_97 = tpu.memref_squeeze %dma_start3A_96 : memref<1x640x128xf32, #tpu.memory_space<hbm>> -> memref<640x128xf32, #tpu.memory_space<hbm>>
      %dma_start3A_98 = arith.constant 0 : i32
      %dma_start3A_99 = tpu.memref_slice %arg9[%mul3A_91, %dma_start3A_98] : memref<10240x128xf32, #tpu.memory_space<vmem_shared>> -> memref<640x128xf32, #tpu.memory_space<vmem_shared>>
      tpu.enqueue_dma source(%dma_start3A_99 : memref<640x128xf32, #tpu.memory_space<vmem_shared>>) target(%dma_start3A_97 : memref<640x128xf32, #tpu.memory_space<hbm>>) target_semaphore(%run_scoped3A_94 : memref<!tpu.dma_semaphore, #tpu.memory_space<semaphore_mem>>)
      %dma_wait3A_100 = arith.constant 0 : i32
      %dma_wait3A_101 = tpu.memref_slice %arg5[%arg0, %mul3A_93, %dma_wait3A_100] : memref<2x10240x128xf32, #tpu.memory_space<hbm>> -> memref<1x640x128xf32, #tpu.memory_space<hbm>>
      %dma_wait3A_102 = tpu.memref_squeeze %dma_wait3A_101 : memref<1x640x128xf32, #tpu.memory_space<hbm>> -> memref<640x128xf32, #tpu.memory_space<hbm>>
      %dma_wait3A_103 = arith.constant 0 : i32
      %dma_wait3A_104 = tpu.memref_slice %arg9[%mul3A_91, %dma_wait3A_103] : memref<10240x128xf32, #tpu.memory_space<vmem_shared>> -> memref<640x128xf32, #tpu.memory_space<vmem_shared>>
      tpu.wait_dma2 semaphore(%run_scoped3A_94 : memref<!tpu.dma_semaphore, #tpu.memory_space<semaphore_mem>>) src(%dma_wait3A_104 : memref<640x128xf32, #tpu.memory_space<vmem_shared>>) dst(%dma_wait3A_102 : memref<640x128xf32, #tpu.memory_space<hbm>>)
      tpu.yield
    }) : () -> ()
    return
  }
}

module attributes {stable_mosaic.version = 14 : i64} {
  func.func @_prep_body(%arg0: i32, %arg1: memref<2x1000x1xf32, #tpu.memory_space<vmem>>, %arg2: memref<1000x128xf32, #tpu.memory_space<vmem>>, %arg3: memref<128x128xf32, #tpu.memory_space<vmem>>, %arg4: memref<1000x128xf32, #tpu.memory_space<vmem>>, %arg5: memref<1000x1xf32, #tpu.memory_space<vmem>>) attributes {dimension_semantics = [#tpu.dimension_semantics<arbitrary>], iteration_bounds = array<i64: 10>, scalar_prefetch = 0 : i64, scratch_operands = 0 : i64, tpu.core_type = #tpu.core_type<tc>, window_params = [{transform_indices = @transform_0, window_bounds = array<i64: 2, 1000, 1>}, {transform_indices = @transform_1, window_bounds = array<i64: 1000, 128>}, {pipeline_mode = #tpu.pipeline_mode<synchronous>, transform_indices = @transform_2, window_bounds = array<i64: 128, 128>}, {transform_indices = @transform_3, window_bounds = array<i64: 1000, 128>}, {transform_indices = @transform_4, window_bounds = array<i64: 1000, 1>}]} {
    %get3A = arith.constant 0 : index
    %get3A_0 = arith.constant 0 : index
    %get3A_1 = arith.constant 0 : index
    %get3A_2 = vector.load %arg1[%get3A, %get3A_0, %get3A_1] : memref<2x1000x1xf32, #tpu.memory_space<vmem>>, vector<1x1000x1xf32>
    %get3A_3 = vector.shape_cast %get3A_2 : vector<1x1000x1xf32> to vector<1000x1xf32>
    %get3A_4 = arith.constant 1 : index
    %get3A_5 = arith.constant 0 : index
    %get3A_6 = arith.constant 0 : index
    %get3A_7 = vector.load %arg1[%get3A_4, %get3A_5, %get3A_6] : memref<2x1000x1xf32, #tpu.memory_space<vmem>>, vector<1x1000x1xf32>
    %get3A_8 = vector.shape_cast %get3A_7 : vector<1x1000x1xf32> to vector<1000x1xf32>
    %add3A = arith.addf %get3A_3, %get3A_8 : vector<1000x1xf32>
    %add3A_9 = arith.constant 1.000000e+00 : f32
    %add3A_10 = vector.broadcast %add3A_9 : f32 to vector<1000x1xf32>
    %add3A_11 = arith.addf %add3A, %add3A_10 : vector<1000x1xf32>
    %rsqrt3A = math.rsqrt %add3A_11 : vector<1000x1xf32>
    %get3A_12 = arith.constant 0 : index
    %get3A_13 = arith.constant 0 : index
    %get3A_14 = vector.load %arg2[%get3A_12, %get3A_13] : memref<1000x128xf32, #tpu.memory_space<vmem>>, vector<1000x128xf32>
    %get3A_15 = arith.constant 0 : index
    %get3A_16 = arith.constant 0 : index
    %get3A_17 = vector.load %arg3[%get3A_15, %get3A_16] : memref<128x128xf32, #tpu.memory_space<vmem>>, vector<128x128xf32>
    %dot_general3A = arith.constant dense<0.000000e+00> : vector<1000x128xf32>
    %dot_general3A_18 = tpu.matmul %get3A_14, %get3A_17, %dot_general3A {dimension_numbers = #tpu.dot_dimension_numbers<[1], [0], [0], [1], [0, 0, 1, 1], [], []>, transpose_lhs_hint = false} : vector<1000x128xf32>, vector<128x128xf32>, vector<1000x128xf32> -> vector<1000x128xf32>
    %mul3A = vector.broadcast %rsqrt3A : vector<1000x1xf32> to vector<1000x128xf32>
    %mul3A_19 = arith.mulf %dot_general3A_18, %mul3A : vector<1000x128xf32>
    %swap3A = arith.constant 0 : index
    %swap3A_20 = arith.constant 0 : index
    %swap3A_21 = vector.load %arg4[%swap3A, %swap3A_20] : memref<1000x128xf32, #tpu.memory_space<vmem>>, vector<1000x128xf32>
    tpu.vector_store %arg4[%swap3A, %swap3A_20], %mul3A_19 {strides = array<i32>} : memref<1000x128xf32, #tpu.memory_space<vmem>>, vector<1000x128xf32>,
    %swap3A_22 = arith.constant 0 : index
    %swap3A_23 = arith.constant 0 : index
    %swap3A_24 = vector.load %arg5[%swap3A_22, %swap3A_23] : memref<1000x1xf32, #tpu.memory_space<vmem>>, vector<1000x1xf32>
    tpu.vector_store %arg5[%swap3A_22, %swap3A_23], %rsqrt3A {strides = array<i32>} : memref<1000x1xf32, #tpu.memory_space<vmem>>, vector<1000x1xf32>,
    return
  }
  func.func @transform_0(%arg0: i32) -> (i32, i32, i32) {
    %c0_i32 = arith.constant 0 : i32
    %c0_i32_0 = arith.constant 0 : i32
    %c0_i32_1 = arith.constant 0 : i32
    return %c0_i32, %arg0, %c0_i32_0 : i32, i32, i32
  }
  func.func @transform_1(%arg0: i32) -> (i32, i32) {
    %c0_i32 = arith.constant 0 : i32
    %c0_i32_0 = arith.constant 0 : i32
    return %arg0, %c0_i32 : i32, i32
  }
  func.func @transform_2(%arg0: i32) -> (i32, i32) {
    %c0_i32 = arith.constant 0 : i32
    %c0_i32_0 = arith.constant 0 : i32
    %c0_i32_1 = arith.constant 0 : i32
    return %c0_i32, %c0_i32_0 : i32, i32
  }
  func.func @transform_3(%arg0: i32) -> (i32, i32) {
    %c0_i32 = arith.constant 0 : i32
    %c0_i32_0 = arith.constant 0 : i32
    return %arg0, %c0_i32 : i32, i32
  }
  func.func @transform_4(%arg0: i32) -> (i32, i32) {
    %c0_i32 = arith.constant 0 : i32
    %c0_i32_0 = arith.constant 0 : i32
    return %arg0, %c0_i32 : i32, i32
  }
}

module attributes {stable_mosaic.version = 14 : i64} {
  func.func @_mid_body(%arg0: i32, %arg1: memref<2x1000x128xf32, #tpu.memory_space<vmem>>, %arg2: memref<1000x128xf32, #tpu.memory_space<vmem>>, %arg3: memref<1000x1xf32, #tpu.memory_space<vmem>>, %arg4: memref<1x128xf32, #tpu.memory_space<vmem>>, %arg5: memref<128x128xf32, #tpu.memory_space<vmem>>, %arg6: memref<1000x128xf32, #tpu.memory_space<vmem>>) attributes {dimension_semantics = [#tpu.dimension_semantics<arbitrary>], iteration_bounds = array<i64: 10>, scalar_prefetch = 0 : i64, scratch_operands = 0 : i64, tpu.core_type = #tpu.core_type<tc>, window_params = [{transform_indices = @transform_0, window_bounds = array<i64: 2, 1000, 128>}, {transform_indices = @transform_1, window_bounds = array<i64: 1000, 128>}, {transform_indices = @transform_2, window_bounds = array<i64: 1000, 1>}, {pipeline_mode = #tpu.pipeline_mode<synchronous>, transform_indices = @transform_3, window_bounds = array<i64: 1, 128>}, {pipeline_mode = #tpu.pipeline_mode<synchronous>, transform_indices = @transform_4, window_bounds = array<i64: 128, 128>}, {transform_indices = @transform_5, window_bounds = array<i64: 1000, 128>}]} {
    %get3A = arith.constant 0 : index
    %get3A_0 = arith.constant 0 : index
    %get3A_1 = vector.load %arg3[%get3A, %get3A_0] : memref<1000x1xf32, #tpu.memory_space<vmem>>, vector<1000x1xf32>
    %get3A_2 = arith.constant 0 : index
    %get3A_3 = arith.constant 0 : index
    %get3A_4 = arith.constant 0 : index
    %get3A_5 = vector.load %arg1[%get3A_2, %get3A_3, %get3A_4] : memref<2x1000x128xf32, #tpu.memory_space<vmem>>, vector<1x1000x128xf32>
    %get3A_6 = vector.shape_cast %get3A_5 : vector<1x1000x128xf32> to vector<1000x128xf32>
    %get3A_7 = arith.constant 1 : index
    %get3A_8 = arith.constant 0 : index
    %get3A_9 = arith.constant 0 : index
    %get3A_10 = vector.load %arg1[%get3A_7, %get3A_8, %get3A_9] : memref<2x1000x128xf32, #tpu.memory_space<vmem>>, vector<1x1000x128xf32>
    %get3A_11 = vector.shape_cast %get3A_10 : vector<1x1000x128xf32> to vector<1000x128xf32>
    %add3A = arith.addf %get3A_6, %get3A_11 : vector<1000x128xf32>
    %get3A_12 = arith.constant 0 : index
    %get3A_13 = arith.constant 0 : index
    %get3A_14 = vector.load %arg2[%get3A_12, %get3A_13] : memref<1000x128xf32, #tpu.memory_space<vmem>>, vector<1000x128xf32>
    %add3A_15 = arith.addf %add3A, %get3A_14 : vector<1000x128xf32>
    %mul3A = vector.broadcast %get3A_1 : vector<1000x1xf32> to vector<1000x128xf32>
    %mul3A_16 = arith.mulf %mul3A, %add3A_15 : vector<1000x128xf32>
    %get3A_17 = arith.constant 0 : index
    %get3A_18 = arith.constant 0 : index
    %get3A_19 = vector.load %arg4[%get3A_17, %get3A_18] : memref<1x128xf32, #tpu.memory_space<vmem>>, vector<1x128xf32>
    %add3A_20 = vector.broadcast %get3A_19 : vector<1x128xf32> to vector<1000x128xf32>
    %add3A_21 = arith.addf %mul3A_16, %add3A_20 : vector<1000x128xf32>
    %max3A = arith.constant 0.000000e+00 : f32
    %max3A_22 = vector.broadcast %max3A : f32 to vector<1000x128xf32>
    %max3A_23 = arith.maximumf %add3A_21, %max3A_22 : vector<1000x128xf32>
    %get3A_24 = arith.constant 0 : index
    %get3A_25 = arith.constant 0 : index
    %get3A_26 = vector.load %arg5[%get3A_24, %get3A_25] : memref<128x128xf32, #tpu.memory_space<vmem>>, vector<128x128xf32>
    %dot_general3A = arith.constant dense<0.000000e+00> : vector<1000x128xf32>
    %dot_general3A_27 = tpu.matmul %max3A_23, %get3A_26, %dot_general3A {dimension_numbers = #tpu.dot_dimension_numbers<[1], [0], [0], [1], [0, 0, 1, 1], [], []>, transpose_lhs_hint = false} : vector<1000x128xf32>, vector<128x128xf32>, vector<1000x128xf32> -> vector<1000x128xf32>
    %mul3A_28 = vector.broadcast %get3A_1 : vector<1000x1xf32> to vector<1000x128xf32>
    %mul3A_29 = arith.mulf %dot_general3A_27, %mul3A_28 : vector<1000x128xf32>
    %swap3A = arith.constant 0 : index
    %swap3A_30 = arith.constant 0 : index
    %swap3A_31 = vector.load %arg6[%swap3A, %swap3A_30] : memref<1000x128xf32, #tpu.memory_space<vmem>>, vector<1000x128xf32>
    tpu.vector_store %arg6[%swap3A, %swap3A_30], %mul3A_29 {strides = array<i32>} : memref<1000x128xf32, #tpu.memory_space<vmem>>, vector<1000x128xf32>,
    return
  }
  func.func @transform_0(%arg0: i32) -> (i32, i32, i32) {
    %c0_i32 = arith.constant 0 : i32
    %c0_i32_0 = arith.constant 0 : i32
    %c0_i32_1 = arith.constant 0 : i32
    return %c0_i32, %arg0, %c0_i32_0 : i32, i32, i32
  }
  func.func @transform_1(%arg0: i32) -> (i32, i32) {
    %c0_i32 = arith.constant 0 : i32
    %c0_i32_0 = arith.constant 0 : i32
    return %arg0, %c0_i32 : i32, i32
  }
  func.func @transform_2(%arg0: i32) -> (i32, i32) {
    %c0_i32 = arith.constant 0 : i32
    %c0_i32_0 = arith.constant 0 : i32
    return %arg0, %c0_i32 : i32, i32
  }
  func.func @transform_3(%arg0: i32) -> (i32, i32) {
    %c0_i32 = arith.constant 0 : i32
    %c0_i32_0 = arith.constant 0 : i32
    %c0_i32_1 = arith.constant 0 : i32
    return %c0_i32, %c0_i32_0 : i32, i32
  }
  func.func @transform_4(%arg0: i32) -> (i32, i32) {
    %c0_i32 = arith.constant 0 : i32
    %c0_i32_0 = arith.constant 0 : i32
    %c0_i32_1 = arith.constant 0 : i32
    return %c0_i32, %c0_i32_0 : i32, i32
  }
  func.func @transform_5(%arg0: i32) -> (i32, i32) {
    %c0_i32 = arith.constant 0 : i32
    %c0_i32_0 = arith.constant 0 : i32
    return %arg0, %c0_i32 : i32, i32
  }
}

module attributes {stable_mosaic.version = 14 : i64} {
  func.func @_final_body(%arg0: i32, %arg1: memref<2x1000x128xf32, #tpu.memory_space<vmem>>, %arg2: memref<1000x128xf32, #tpu.memory_space<vmem>>, %arg3: memref<1000x1xf32, #tpu.memory_space<vmem>>, %arg4: memref<1x128xf32, #tpu.memory_space<vmem>>, %arg5: memref<128x2xf32, #tpu.memory_space<vmem>>, %arg6: memref<1x2xf32, #tpu.memory_space<vmem>>, %arg7: memref<1x2xf32, #tpu.memory_space<vmem>>, %arg8: memref<1x128xf32, #tpu.memory_space<vmem>>) attributes {dimension_semantics = [#tpu.dimension_semantics<arbitrary>], iteration_bounds = array<i64: 10>, scalar_prefetch = 0 : i64, scratch_operands = 1 : i64, tpu.core_type = #tpu.core_type<tc>, window_params = [{transform_indices = @transform_0, window_bounds = array<i64: 2, 1000, 128>}, {transform_indices = @transform_1, window_bounds = array<i64: 1000, 128>}, {transform_indices = @transform_2, window_bounds = array<i64: 1000, 1>}, {pipeline_mode = #tpu.pipeline_mode<synchronous>, transform_indices = @transform_3, window_bounds = array<i64: 1, 128>}, {pipeline_mode = #tpu.pipeline_mode<synchronous>, transform_indices = @transform_4, window_bounds = array<i64: 128, 2>}, {pipeline_mode = #tpu.pipeline_mode<synchronous>, transform_indices = @transform_5, window_bounds = array<i64: 1, 2>}, {pipeline_mode = #tpu.pipeline_mode<synchronous>, transform_indices = @transform_6, window_bounds = array<i64: 1, 2>}]} {
    %get3A = arith.constant 0 : index
    %get3A_0 = arith.constant 0 : index
    %get3A_1 = vector.load %arg3[%get3A, %get3A_0] : memref<1000x1xf32, #tpu.memory_space<vmem>>, vector<1000x1xf32>
    %get3A_2 = arith.constant 0 : index
    %get3A_3 = arith.constant 0 : index
    %get3A_4 = arith.constant 0 : index
    %get3A_5 = vector.load %arg1[%get3A_2, %get3A_3, %get3A_4] : memref<2x1000x128xf32, #tpu.memory_space<vmem>>, vector<1x1000x128xf32>
    %get3A_6 = vector.shape_cast %get3A_5 : vector<1x1000x128xf32> to vector<1000x128xf32>
    %get3A_7 = arith.constant 1 : index
    %get3A_8 = arith.constant 0 : index
    %get3A_9 = arith.constant 0 : index
    %get3A_10 = vector.load %arg1[%get3A_7, %get3A_8, %get3A_9] : memref<2x1000x128xf32, #tpu.memory_space<vmem>>, vector<1x1000x128xf32>
    %get3A_11 = vector.shape_cast %get3A_10 : vector<1x1000x128xf32> to vector<1000x128xf32>
    %add3A = arith.addf %get3A_6, %get3A_11 : vector<1000x128xf32>
    %get3A_12 = arith.constant 0 : index
    %get3A_13 = arith.constant 0 : index
    %get3A_14 = vector.load %arg2[%get3A_12, %get3A_13] : memref<1000x128xf32, #tpu.memory_space<vmem>>, vector<1000x128xf32>
    %add3A_15 = arith.addf %add3A, %get3A_14 : vector<1000x128xf32>
    %mul3A = vector.broadcast %get3A_1 : vector<1000x1xf32> to vector<1000x128xf32>
    %mul3A_16 = arith.mulf %mul3A, %add3A_15 : vector<1000x128xf32>
    %get3A_17 = arith.constant 0 : index
    %get3A_18 = arith.constant 0 : index
    %get3A_19 = vector.load %arg4[%get3A_17, %get3A_18] : memref<1x128xf32, #tpu.memory_space<vmem>>, vector<1x128xf32>
    %add3A_20 = vector.broadcast %get3A_19 : vector<1x128xf32> to vector<1000x128xf32>
    %add3A_21 = arith.addf %mul3A_16, %add3A_20 : vector<1000x128xf32>
    %max3A = arith.constant 0.000000e+00 : f32
    %max3A_22 = vector.broadcast %max3A : f32 to vector<1000x128xf32>
    %max3A_23 = arith.maximumf %add3A_21, %max3A_22 : vector<1000x128xf32>
    %reduce_sum3A = arith.constant dense<0.000000e+00> : vector<128xf32>
    %reduce_sum3A_24 = vector.multi_reduction <add>, %max3A_23, %reduce_sum3A [0] : vector<1000x128xf32> to vector<128xf32>
    %broadcast_in_dim3A = vector.shape_cast %reduce_sum3A_24 : vector<128xf32> to vector<1x128xf32>
    %eq3A = arith.constant 0 : i32
    %eq3A_25 = arith.cmpi eq, %arg0, %eq3A : i32
    %convert_element_type3A = arith.extui %eq3A_25 : i1 to i32
    %cond3A = arith.constant 0 : i32
    %cond3A_26 = arith.cmpi ne, %convert_element_type3A, %cond3A : i32
    scf.if %cond3A_26 {
      %swap3A = arith.constant 0 : index
      %swap3A_36 = arith.constant 0 : index
      %swap3A_37 = vector.load %arg8[%swap3A, %swap3A_36] : memref<1x128xf32, #tpu.memory_space<vmem>>, vector<1x128xf32>
      tpu.vector_store %arg8[%swap3A, %swap3A_36], %broadcast_in_dim3A {strides = array<i32>} : memref<1x128xf32, #tpu.memory_space<vmem>>, vector<1x128xf32>,
    } else {
    }
    %gt3A = arith.constant 0 : i32
    %gt3A_27 = arith.cmpi sgt, %arg0, %gt3A : i32
    %convert_element_type3A_28 = arith.extui %gt3A_27 : i1 to i32
    %cond3A_29 = arith.constant 0 : i32
    %cond3A_30 = arith.cmpi ne, %convert_element_type3A_28, %cond3A_29 : i32
    scf.if %cond3A_30 {
      %get3A_36 = arith.constant 0 : index
      %get3A_37 = arith.constant 0 : index
      %get3A_38 = vector.load %arg8[%get3A_36, %get3A_37] : memref<1x128xf32, #tpu.memory_space<vmem>>, vector<1x128xf32>
      %add3A_39 = arith.addf %get3A_38, %broadcast_in_dim3A : vector<1x128xf32>
      %swap3A = arith.constant 0 : index
      %swap3A_40 = arith.constant 0 : index
      %swap3A_41 = vector.load %arg8[%swap3A, %swap3A_40] : memref<1x128xf32, #tpu.memory_space<vmem>>, vector<1x128xf32>
      tpu.vector_store %arg8[%swap3A, %swap3A_40], %add3A_39 {strides = array<i32>} : memref<1x128xf32, #tpu.memory_space<vmem>>, vector<1x128xf32>,
    } else {
    }
    %eq3A_31 = arith.constant 9 : i32
    %eq3A_32 = arith.cmpi eq, %arg0, %eq3A_31 : i32
    %convert_element_type3A_33 = arith.extui %eq3A_32 : i1 to i32
    %cond3A_34 = arith.constant 0 : i32
    %cond3A_35 = arith.cmpi ne, %convert_element_type3A_33, %cond3A_34 : i32
    scf.if %cond3A_35 {
      %get3A_36 = arith.constant 0 : index
      %get3A_37 = arith.constant 0 : index
      %get3A_38 = vector.load %arg8[%get3A_36, %get3A_37] : memref<1x128xf32, #tpu.memory_space<vmem>>, vector<1x128xf32>
      %mul3A_39 = arith.constant 9.99999974E-5 : f32
      %mul3A_40 = vector.broadcast %mul3A_39 : f32 to vector<1x128xf32>
      %mul3A_41 = arith.mulf %get3A_38, %mul3A_40 : vector<1x128xf32>
      %get3A_42 = arith.constant 0 : index
      %get3A_43 = arith.constant 0 : index
      %get3A_44 = vector.load %arg5[%get3A_42, %get3A_43] : memref<128x2xf32, #tpu.memory_space<vmem>>, vector<128x2xf32>
      %dot_general3A = arith.constant dense<0.000000e+00> : vector<1x2xf32>
      %dot_general3A_45 = tpu.matmul %mul3A_41, %get3A_44, %dot_general3A {dimension_numbers = #tpu.dot_dimension_numbers<[1], [0], [0], [1], [0, 0, 1, 1], [], []>, transpose_lhs_hint = false} : vector<1x128xf32>, vector<128x2xf32>, vector<1x2xf32> -> vector<1x2xf32>
      %get3A_46 = arith.constant 0 : index
      %get3A_47 = arith.constant 0 : index
      %get3A_48 = vector.load %arg6[%get3A_46, %get3A_47] : memref<1x2xf32, #tpu.memory_space<vmem>>, vector<1x2xf32>
      %add3A_49 = arith.addf %dot_general3A_45, %get3A_48 : vector<1x2xf32>
      %reduce_max3A = arith.constant dense<0xFF800000> : vector<1xf32>
      %reduce_max3A_50 = vector.multi_reduction <maximumf>, %add3A_49, %reduce_max3A [1] : vector<1x2xf32> to vector<1xf32>
      %broadcast_in_dim3A_51 = vector.shape_cast %reduce_max3A_50 : vector<1xf32> to vector<1x1xf32>
      %sub3A = vector.broadcast %broadcast_in_dim3A_51 : vector<1x1xf32> to vector<1x2xf32>
      %sub3A_52 = arith.subf %add3A_49, %sub3A : vector<1x2xf32>
      %exp3A = math.exp %sub3A_52 : vector<1x2xf32>
      %reduce_sum3A_53 = arith.constant dense<0.000000e+00> : vector<1xf32>
      %reduce_sum3A_54 = vector.multi_reduction <add>, %exp3A, %reduce_sum3A_53 [1] : vector<1x2xf32> to vector<1xf32>
      %broadcast_in_dim3A_55 = vector.shape_cast %reduce_sum3A_54 : vector<1xf32> to vector<1x1xf32>
      %log3A = math.log %broadcast_in_dim3A_55 : vector<1x1xf32>
      %sub3A_56 = vector.broadcast %broadcast_in_dim3A_51 : vector<1x1xf32> to vector<1x2xf32>
      %sub3A_57 = arith.subf %add3A_49, %sub3A_56 : vector<1x2xf32>
      %sub3A_58 = vector.broadcast %log3A : vector<1x1xf32> to vector<1x2xf32>
      %sub3A_59 = arith.subf %sub3A_57, %sub3A_58 : vector<1x2xf32>
      %swap3A = arith.constant 0 : index
      %swap3A_60 = arith.constant 0 : index
      %swap3A_61 = vector.load %arg7[%swap3A, %swap3A_60] : memref<1x2xf32, #tpu.memory_space<vmem>>, vector<1x2xf32>
      tpu.vector_store %arg7[%swap3A, %swap3A_60], %sub3A_59 {strides = array<i32>} : memref<1x2xf32, #tpu.memory_space<vmem>>, vector<1x2xf32>,
    } else {
    }
    return
  }
  func.func @transform_0(%arg0: i32) -> (i32, i32, i32) {
    %c0_i32 = arith.constant 0 : i32
    %c0_i32_0 = arith.constant 0 : i32
    %c0_i32_1 = arith.constant 0 : i32
    return %c0_i32, %arg0, %c0_i32_0 : i32, i32, i32
  }
  func.func @transform_1(%arg0: i32) -> (i32, i32) {
    %c0_i32 = arith.constant 0 : i32
    %c0_i32_0 = arith.constant 0 : i32
    return %arg0, %c0_i32 : i32, i32
  }
  func.func @transform_2(%arg0: i32) -> (i32, i32) {
    %c0_i32 = arith.constant 0 : i32
    %c0_i32_0 = arith.constant 0 : i32
    return %arg0, %c0_i32 : i32, i32
  }
  func.func @transform_3(%arg0: i32) -> (i32, i32) {
    %c0_i32 = arith.constant 0 : i32
    %c0_i32_0 = arith.constant 0 : i32
    %c0_i32_1 = arith.constant 0 : i32
    return %c0_i32, %c0_i32_0 : i32, i32
  }
  func.func @transform_4(%arg0: i32) -> (i32, i32) {
    %c0_i32 = arith.constant 0 : i32
    %c0_i32_0 = arith.constant 0 : i32
    %c0_i32_1 = arith.constant 0 : i32
    return %c0_i32, %c0_i32_0 : i32, i32
  }
  func.func @transform_5(%arg0: i32) -> (i32, i32) {
    %c0_i32 = arith.constant 0 : i32
    %c0_i32_0 = arith.constant 0 : i32
    %c0_i32_1 = arith.constant 0 : i32
    return %c0_i32, %c0_i32_0 : i32, i32
  }
  func.func @transform_6(%arg0: i32) -> (i32, i32) {
    %c0_i32 = arith.constant 0 : i32
    %c0_i32_0 = arith.constant 0 : i32
    %c0_i32_1 = arith.constant 0 : i32
    return %c0_i32, %c0_i32_0 : i32, i32
  }
}

</mosaic_0001>

<sc_bundles>
// kernel: kernel.11.cloned.1.call-start
scs
__scs_entry_jumppad:
0x0: {  	(pc) =	sbr.rel $0x88, $3  }
0x1: {  	(tag) =	ssettag $0x0;
	lr =	simm.s32 $0x1  }
0x2: {  	[smem:$0x3F99] =	sst lr;
	_ =	strace $0xD0000000  }
0x3: {  	_ = 	snop  }
0x4: {  	_ = 	snop  }
0x5: {  	_ = 	snop  }
0x6: {  	_ = 	snop  }
0x7: {  	_ = 	snop  }
__scs_overlays_trampoline_lowered:
0x8: {  	[smem:$0x3FA8] =	sst s0  }
0x9: {  	[smem:$0x3FA9] =	sst s1  }
0xa: {  	[smem:$0x3FAA] =	sst s2  }
0xb: {  	[smem:$0x3FAB] =	sst s3  }
0xc: {  	[smem:$0x3FAC] =	sst s4  }
0xd: {  	[smem:$0x3FAD] =	sst s5  }
0xe: {  	[smem:$0x3FAE] =	sst s6  }
0xf: {  	[smem:$0x3FAF] =	sst s7  }
0x10: {  	[smem:$0x3FB0] =	sst s8  }
0x11: {  	[smem:$0x3FB1] =	sst s9;
	s0 =	simm.s32 @!p0 $0x0  }
0x12: {  	s1 =	sld [smem:$0x3F97];
	s0 =	simm.s32 @p0 $0x1  }
0x13: {  	[smem:$0x3FB2] =	sst s0;
	s0 =	simm.s32 @!p1 $0x0  }
0x14: {  	s2 =	sld [smem:$0x3F96];
	s0 =	simm.s32 @p1 $0x1  }
0x15: {  	[smem:$0x3FB3] =	sst s0;
	s0 =	simm.s32 @!p2 $0x0  }
0x16: {  	s3 =	sld [smem:$0x3FDB];
	s0 =	simm.s32 @p2 $0x1  }
0x17: {  	s4 =	simm.s32 $0x1BF5;
	[smem:$0x3FB5] =	sst s0  }
0x18: {  	s0 =	sld [smem:$0x3F98];
	_ =	swait.ge [sflag:s4], $0x0  }
0x19: {  	s7 =	sld [smem:$0x3F99]  }
0x1a: {  	s8 =	sadd.s32 $0xFFFFE003, lr  }
0x1b: {  	s9 =	sadd.s32 $0xFFFFFEF7, lr;
	s5 =	simm.s32 $0xFFFFFFFF;
	p2 =	slt.u32 s8, $0xFFFFF086  }
0x1c: {  	p1 =	slt.u32 s9, $0xF7A;
	s5 =	simm.s32 @!p2 $0x0  }
0x1d: {  	s5 =	simm.s32 @p1 $0x1;
	p0 =	seq.s32 s7, s2  }
0x1e: {  	s7 =	smul.u32 @!p0 $0xF7A, s2;
	p2 =	seq.s32 @!p0 s5, $0x0  }
0x1f: {  	s9 =	smul.u32 $0xF7A, s1;
	s8 =	simm.s32 @!p0 $0x1BF5;
	p2 =	por !p2, p0  }
0x20: {  	[sflag:s8] =	ssyncset.s32 @!p0 $0xFFFFF086;
	s6 =	sadd.s32 @!p0 s3, s7;
	s7 =	simm.s32 @!p0 $0x108  }
0x21: {  	s3 =	sadd.s32 s3, s9;
	s6 =	sadd.s32 @!p0 $0x88, s6;
	s7 =	simm.s32 @p2 $0x1082  }
0x22: {  	[simem:s7], [sflag:s8] =	dma.local @!p0 [hbm:s6], $0xF7A  }
0x23: {  	s9 =	sor.u32 $0xD0000000, s2;
	s6 =	simm.s32 $0x108;
	_ =	swait.ge @!p0 [sflag:s8], $0x0  }
0x24: {  	s3 =	sadd.s32 $0x88, s3;
	s6 =	simm.s32 @!p1 $0x1082;
	[sflag:s4] =	ssyncset.s32 $0xFFFFF086  }
0x25: {  	[simem:s6], [sflag:s4] =	dma.local [hbm:s3], $0xF7A  }
0x26: {  	[smem:$0x3F99] =	sst s1;
	(tag) =	ssettag s2;
	_ =	strace s9  }
0x27: {  	s1 =	sld [smem:$0x3FA9]  }
0x28: {  	s2 =	sld [smem:$0x3FAA]  }
0x29: {  	s4 =	sld [smem:$0x3FAC]  }
0x2a: {  	p0 =	seq.s32 s5, $0x0;
	s5 =	sld [smem:$0x3FAD]  }
0x2b: {  	s6 =	sld [smem:$0x3FAE]  }
0x2c: {  	s7 =	sld [smem:$0x3FAF]  }
0x2d: {  	s3 =	simm.s32 $0x108;
	s8 =	sld [smem:$0x3FB0]  }
0x2e: {  	s3 =	simm.s32 @!p0 $0x1082;
	s9 =	sld [smem:$0x3FB1]  }
0x2f: {  	lr =	sadd.s32 s0, s3;
	s0 =	sld [smem:$0x3FA8]  }
0x30: {  	s3 =	sld [smem:$0x3FAB]  }
0x31: {  	[smem:$0x3FB4] =	sst s10  }
0x32: {  	s10 =	sld [smem:$0x3FB2];
	_ =	sdelay $0x3  }
0x33: {  	p0 =	seq.s32 s10, $0x1;
	s10 =	sld [smem:$0x3FB4];
	_ =	sdelay $0x3  }
0x34: {  	[smem:$0x3FB4] =	sst s10  }
0x35: {  	s10 =	sld [smem:$0x3FB3];
	_ =	sdelay $0x3  }
0x36: {  	p1 =	seq.s32 s10, $0x1;
	s10 =	sld [smem:$0x3FB4];
	_ =	sdelay $0x3  }
0x37: {  	[smem:$0x3FB4] =	sst s10  }
0x38: {  	s10 =	sld [smem:$0x3FB5]  }
0x39: {  	_ = 	snop;
	(pc) =	sbr.ind lr, $3  }
0x3a: {  	_ = 	snop  }
0x3b: {  	_ = 	snop  }
0x3c: {  	p2 =	seq.s32 s10, $0x1;
	s10 =	sld [smem:$0x3FB4]  }
0x3d: {  	_ =	shalt  }
0x3e: {  	_ =	shalt  }
0x3f: {  	_ =	shalt  }
0x40: {  	_ =	shalt  }
0x41: {  	_ =	shalt  }
0x42: {  	_ =	shalt  }
0x43: {  	_ =	shalt  }
0x44: {  	_ =	shalt  }
0x45: {  	_ =	shalt  }
0x46: {  	_ =	shalt  }
0x47: {  	_ =	shalt  }
0x48: {  	_ =	shalt  }
0x49: {  	_ =	shalt  }
0x4a: {  	_ =	shalt  }
0x4b: {  	_ =	shalt  }
0x4c: {  	_ =	shalt  }
0x4d: {  	_ =	shalt  }
0x4e: {  	_ =	shalt  }
0x4f: {  	_ =	shalt  }
0x50: {  	_ =	shalt  }
0x51: {  	_ =	shalt  }
0x52: {  	_ =	shalt  }
0x53: {  	_ =	shalt  }
0x54: {  	_ =	shalt  }
0x55: {  	_ =	shalt  }
0x56: {  	_ =	shalt  }
0x57: {  	_ =	shalt  }
0x58: {  	_ =	shalt  }
0x59: {  	_ =	shalt  }
0x5a: {  	_ =	shalt  }
0x5b: {  	_ =	shalt  }
0x5c: {  	_ =	shalt  }
0x5d: {  	_ =	shalt  }
0x5e: {  	_ =	shalt  }
0x5f: {  	_ =	shalt  }
0x60: {  	_ =	shalt  }
0x61: {  	_ =	shalt  }
0x62: {  	_ =	shalt  }
0x63: {  	_ =	shalt  }
0x64: {  	_ =	shalt  }
0x65: {  	_ =	shalt  }
0x66: {  	_ =	shalt  }
0x67: {  	_ =	shalt  }
0x68: {  	_ =	shalt  }
0x69: {  	_ =	shalt  }
0x6a: {  	_ =	shalt  }
0x6b: {  	_ =	shalt  }
0x6c: {  	_ =	shalt  }
0x6d: {  	_ =	shalt  }
0x6e: {  	_ =	shalt  }
0x6f: {  	_ =	shalt  }
0x70: {  	_ =	shalt  }
0x71: {  	_ =	shalt  }
0x72: {  	_ =	shalt  }
0x73: {  	_ =	shalt  }
0x74: {  	_ =	shalt  }
0x75: {  	_ =	shalt  }
0x76: {  	_ =	shalt  }
0x77: {  	_ =	shalt  }
0x78: {  	_ =	shalt  }
0x79: {  	_ =	shalt  }
0x7a: {  	_ =	shalt  }
0x7b: {  	_ =	shalt  }
0x7c: {  	_ =	shalt  }
0x7d: {  	_ =	shalt  }
0x7e: {  	_ =	shalt  }
0x7f: {  	_ =	shalt  }
0x80: {  	_ =	shalt  }
0x81: {  	_ =	shalt  }
0x82: {  	_ =	shalt  }
0x83: {  	_ =	shalt  }
0x84: {  	_ =	shalt  }
0x85: {  	_ =	shalt  }
0x86: {  	_ =	shalt  }
0x87: {  	_ =	shalt  }
.Lfunc_end0:
.L_simem_size_0:
called_computation.1_lowered:
.L_overlay_start_0:
0x88: {  	s2 =	sld [smem:$0x3FD9]  }
0x89: {  	s3 =	sld [smem:$0x3FFE];
	_ =	sdelay $0x1  }
0x8a: {  	s1 =	srdreg.scid  }
0x8b: {  	s0 =	sand.u32 $0x1, s1  }
0x8c: {  	s16 =	sshll.u32 s0, $0xA;
	s2 =	sadd.s32 s3, s2  }
0x8d: {  	s2 =	sadd.s32 s2, s16  }
0x8e: {  	[smem:$0x3FC0] =	sst s2  }
0x8f: {  	_ = 	snop  }
0x90: {  	(tm) =	ssettm $0x1  }
0x91: {  	s17 =	sld [smem:$0x3FFB];
	_ =	sdelay $0x3  }
0x92: {  	_ =	strace s17  }
0x93: {  	s2 =	sld [smem:$0x3FFC];
	_ =	sdelay $0x3  }
0x94: {  	_ =	strace s2  }
0x95: {  	s2 =	sld [smem:$0x3FFD];
	_ =	sdelay $0x3  }
0x96: {  	_ =	strace s2  }
0x97: {  	_ =	strace $0x8FFFFFFF  }
0x98: {  	s18 =	sld [smem:$0x3FDB];
	_ =	sdelay $0x1  }
0x99: {  	s19 =	simm.s32 $_scs_section_size  }
0x9a: {  	s4 =	simm.s32 $_size__tile_overlayer_lowered;
	s5 =	simm.s32 $_tile_overlayer_lowered  }
0x9b: {  	s22 =	simm.s32 $0x1BFF;
	s21 =	sshll.u32 s5, $0x1;
	s2 =	sadd.s32 s19, s18  }
0x9c: {  	s6 =	simm.s32 $0x0;
	s20 =	sshll.u32 s4, $0x1;
	s4 =	sadd.s32 s21, s2  }
0x9d: {  	[timem:s6], [sflag:s22] =	dma.local [hbm:s4], s20  }
0x9e: {  	_ =	swait.ge [sflag:s22], s20  }
0x9f: {  	s3 =	ssub.s32 $0x0, s20;
	[sflag:s22] =	ssyncset.done $0x0  }
0xa0: {  	[sflag:s22] =	ssyncadd.s32 s3;
	_ =	sdelay $0x1  }
0xa1: {  	s23 =	simm.s32 $0x1B8B  }
0xa2: {  	_ =	swait.ge [sflag:s23], $0x1  }
0xa3: {  	[sflag:s23] =	ssyncset.done $0x0  }
0xa4: {  	s25 =	simm.s32 $0x1B8E;
	s24 =	sld [smem:$0x3FFE];
	[sflag:s23] =	ssyncadd.s32 $0xFFFFFFFF  }
0xa5: {  	s26 =	simm.s32 $execute0_lowered;
	[smem:$0x3FD2] =	sst s25  }
0xa6: {  	s4 =	sshll.u32 s26, $0x1;
	_ =	strace $0x80000049;
	[dreg:$0x1] =	wrdreg $0xFFFFFFFF  }
0xa7: {  	s28 =	simm.s32 $_size_execute0_lowered;
	s2 =	sadd.s32 s2, s4;
	[dreg:$0x0] =	wrdreg $0x0  }
0xa8: {  	s4 =	sshll.u32 s28, $0x1;
	[dreg:$0x2] =	wrdreg s2  }
0xa9: {  	[dreg:$0x3] =	wrdreg s4  }
0xaa: {  	[dreg:$0x4] =	wrdreg $0xC0  }
0xab: {  	_ =	task [dreg:s6], $0x5FFFF  }
0xac: {  	[dreg:$0x1] =	wrdreg $0xFFFFFFFF  }
0xad: {  	[dreg:$0x0] =	wrdreg $0x60  }
0xae: {  	[dreg:$0x2] =	wrdreg s24  }
0xaf: {  	[dreg:$0x3] =	wrdreg $0xA9000  }
0xb0: {  	[dreg:$0x4] =	wrdreg $0x9  }
0xb1: {  	_ =	task.clear_ibuf [dreg:s6], $0x5FFFF;
	_ =	strace $0x90000049  }
0xb2: {  	s29 =	simm.s32 $0x9;
	_ =	strace $0x8000004B  }
0xb3: {  	_ =	swait.ge [sflag:s29], $0x1  }
0xb4: {  	[sflag:s29] =	ssyncadd.s32 $0xFFFFFFFF  }
0xb5: {  	_ =	strace $0x9000004B  }
0xb6: {  	_ =	sfence  }
0xb7: {  	s30 =	sld [smem:$0x0];
	_ =	sdelay $0x2  }
0xb8: {  	s31 =	sshll.u32 s1, $0xD;
	s1 =	sshrl.u32 s1, $0x2  }
0xb9: {  	s3 =	sand.u32 $0x4000, s31;
	s1 =	sadd.s32 s1, s30  }
0xba: {  	s0 =	sor.u32 s3, s0;
	s1 =	sshll.u32 s1, $0x11  }
0xbb: {  	s0 =	sor.u32 s1, s0  }
0xbc: {  	s0 =	sadd.s32 $0x8F2B, s0  }
0xbd: {  	[sflag:s0] =	ssyncadd.remote.s32 $0x1  }
0xbe: {  	_ =	sfence.sel $0xFFFF  }
0xbf: {  	[dreg:$0x0] =	wrdreg $0xFFFFFFFF;
	(pc) =	sbr.abs _section_cstart, $3  }
0xc0: {  	[dreg:$0x1] =	wrdreg $0xFFFFFFFF  }
0xc1: {  	_ =	task.clear_ibuf [dreg:s6], $0x2FFFF;
	_ =	strace $0x9FFFFFFF  }
0xc2: {  	(tm) =	ssettm $0x7FFFFFFF  }
0xc3: {  	_ =	shalt  }
tec
execute0_lowered:
.L_overlay_start_1:
0x0: {  	(tag) =	ssettag $0x1  }
0x1: {  	s0 =	rddreg [dreg:$0x0]  }
0x2: {  	s2 =	rddreg [dreg:$0x1];
	s3 =	simm.s32 $0x0  }
0x3: {  	s11 =	stileid.u32;
	s1 =	srdreg.scid;
	s18 =	simm.s32 $0x8  }
0x4: {  	s19 =	simm.s32 $0x2800;
	s20 =	simm.s32 $0x2880;
	s21 =	simm.s32 $0x2  }
0x5: {  	s28 =	simm.s32 $0x6900;
	s29 =	simm.s32 $0x5;
	s30 =	simm.s32 $0x6  }
0x6: {  	[smem:$0x7FF] =	sst s3;
	s6 =	smul.u32 $0x14000, s11;
	s1 =	sand.u32 $0x1, s1  }
0x7: {  	s4 =	sadd.s32 $0x16C00, s0;
	s5 =	sadd.s32 $0x2C00, s0;
	s22 =	smul.u32 $0x50000, s11  }
0x8: {  	s26 =	sshll.u32 s11, $0x6;
	_ =	strace $0x8000004A;
	s7 =	smul.u32 $0x140000, s1  }
0x9: {  	s9 =	sshll.u32 s1, $0x4;
	s1 =	ssub.s32 $0x2, s1;
	[dreg:$0x3] =	wrdreg s26  }
0xa: {  	s8 =	sshrl.u32 s6, $0x3;
	s9 =	sor.u32 s11, s9;
	s24 =	sshrl.u32 s1, $0x1  }
0xb: {  	s6 =	sadd.s32 s6, s7;
	s23 =	sadd.s32 s8, s0;
	s1 =	ssub.s32 s1, s24  }
0xc: {  	s7 =	sshrl.u32 s22, $0x2;
	s22 =	simm.s32 $0x7D;
	s24 =	simm.s32 $0x1  }
0xd: {  	s10 =	sshrl.u32 s6, $0x3;
	s6 =	smul.u32 $0x2800, s9;
	s17 =	sadd.s32 s7, s2  }
0xe: {  	s9 =	sadd.s32 $0x3DE00, s23;
	s7 =	sor.u32 $0x1C01, s26;
	s14 =	smax.u32 s1, $0x1  }
0xf: {  	s23 =	simm.s32 $0x2900;
	s26 =	simm.s32 $0x3;
	s1 =	simm.s32 $0x0  }
.Ltmp0:
0x10: {  	s0 =	sadd.s32 s10, s0;
	[dreg:$0x4] =	wrdreg s9;
	(pc) =	sbr.rel .LBB2_1-.Ltmp0, $4  }
0x11: {  	[dreg:$0x5] =	wrdreg s7;
	s17 =	sshrl.u32 s17, $0x3;
	s25 =	sshrl.u32 s6, $0x3  }
0x12: {  	s13 =	sadd.s32 $0x65E00, s0;
	s0 =	simm.s32 $0x7;
	s8 =	sadd.s32 s5, s25  }
0x13: {  	s25 =	simm.s32 $0x4;
	s31 =	sadd.s32 $0xA000, s8;
	s12 =	sadd.s32 $0x10, s8  }
0x14: {  	s15 =	sadd.s32 $0x20, s8;
	s16 =	sadd.s32 $0x30, s8;
	[dreg:$0x6] =	wrdreg s31  }
.LBB2_4:
0x15: {  	[spmem:s2] =	stream.indirect.scatter.add.f32 [tilespmem:s28], [sflag:$0x7], $0x80, s31, s22, $0xb8;
	[tilespmem:$0x1E900] =	vst v63  }
0x16: {  	_ =	swait.ge [sflag:s0], $0x3E80  }
0x17: {  	[sflag:s0] =	ssyncset.done $0x0  }
0x18: {  	[sflag:s0] =	ssyncadd.s32 $0xFFFFC180  }
0x19: {  	s1 =	sadd.s32 $0x1, s1;
	[bflag:$0x0] =	sbarrier.arrive $0xFFFF  }
0x1a: {  	p0 =	sne.s32 s1, s14;
	s7 =	rddreg [dreg:$0x3]  }
.Ltmp1:
0x1b: {  	s7 =	sor.u32 $0x1C08, s7;
	(pc) =	sbr.rel @!p0 .LBB2_5-.Ltmp1, $4  }
0x1c: {  	[hbm:s13], [sflag:s7] =	dma.local [spmem:s17], $0x2800  }
0x1d: {  	_ =	swait.ge [sflag:s18], $0x2800  }
0x1e: {  	[sflag:s18] =	ssyncset.done $0x0  }
0x1f: {  	[sflag:s18] =	ssyncadd.s32 $0xFFFFD800  }
.LBB2_1:
0x20: {  	s7 =	rddreg [dreg:$0x4]  }
0x21: {  	s9 =	rddreg [dreg:$0x5]  }
0x22: {  	[spmem:s17], [sflag:s9] =	dma.local [hbm:s7], $0x2800  }
0x23: {  	s7 =	rddreg [dreg:$0x6]  }
0x24: {  	[tilespmem:s3], [sflag:$0x8] =	stream.linear.gather [hbm4b:s7+s3], $0x2800, $0x38;
	[tilespmem:$0x1E900] =	vst v63  }
0x25: {  	_ =	swait.ge [sflag:s18], $0x2800  }
0x26: {  	[sflag:s18] =	ssyncset.done $0x0  }
0x27: {  	[sflag:s18] =	ssyncadd.s32 $0xFFFFD800  }
0x28: {  	[tilespmem:s19], [sflag:$0x2] =	stream.linear.gather [hbm4b:s8+s3], $0x80, $0x38;
	[tilespmem:$0x1E900] =	vst v63  }
0x29: {  	_ = 	snop  }
0x2a: {  	[tilespmem:s20], [sflag:$0x3] =	stream.linear.gather [hbm4b:s12+s3], $0x80, $0x38;
	[tilespmem:$0x1E900] =	vst v63  }
0x2b: {  	_ =	swait.ge [sflag:s21], $0x80  }
0x2c: {  	[sflag:s21] =	ssyncset.done $0x0  }
0x2d: {  	[sflag:s21] =	ssyncadd.s32 $0xFFFFFF80  }
0x2e: {  	[tilespmem:s23], [sflag:$0x4] =	stream.indirect.gather [hbm4b:s4+s22], $0x80, s19, s22, $0xb8;
	[tilespmem:$0x1E900] =	vst v63  }
0x2f: {  	_ =	swait.ge [sflag:s24], $0x2800  }
0x30: {  	[sflag:s24] =	ssyncset.done $0x0  }
0x31: {  	[sflag:s24] =	ssyncadd.s32 $0xFFFFD800  }
0x32: {  	[bflag:$0x0] =	sbarrier.arrive $0xFFFF  }
0x33: {  	_ =	swait.ge [sflag:s25], $0x3E80  }
0x34: {  	[sflag:s25] =	ssyncset.done $0x0  }
0x35: {  	[sflag:s25] =	ssyncadd.s32 $0xFFFFC180  }
0x36: {  	[tilespmem:s19], [sflag:$0x2] =	stream.linear.gather [hbm4b:s15+s3], $0x80, $0x38;
	[tilespmem:$0x1E900] =	vst v63  }
0x37: {  	_ =	swait.ge [sflag:s26], $0x80  }
0x38: {  	[sflag:s26] =	ssyncset.done $0x0  }
0x39: {  	[sflag:s26] =	ssyncadd.s32 $0xFFFFFF80  }
0x3a: {  	[tilespmem:s28], [sflag:$0x5] =	stream.indirect.gather [hbm4b:s4+s22], $0x80, s20, s22, $0xb8;
	[tilespmem:$0x1E900] =	vst v63  }
0x3b: {  	_ = 	snop  }
0x3c: {  	[spmem:s2] =	stream.indirect.scatter.add.f32 [tilespmem:s23], [sflag:$0x6], $0x80, s3, s22, $0xb8;
	[tilespmem:$0x1E900] =	vst v63  }
0x3d: {  	_ =	swait.ge [sflag:s29], $0x3E80  }
0x3e: {  	[sflag:s29] =	ssyncset.done $0x0  }
0x3f: {  	[sflag:s29] =	ssyncadd.s32 $0xFFFFC180  }
0x40: {  	_ =	swait.ge [sflag:s30], $0x3E80  }
0x41: {  	[sflag:s30] =	ssyncset.done $0x0  }
0x42: {  	[sflag:s30] =	ssyncadd.s32 $0xFFFFC180  }
0x43: {  	_ =	swait.ge [sflag:s21], $0x80  }
0x44: {  	[sflag:s21] =	ssyncset.done $0x0  }
0x45: {  	[sflag:s21] =	ssyncadd.s32 $0xFFFFFF80  }
0x46: {  	[tilespmem:s23], [sflag:$0x4] =	stream.indirect.gather [hbm4b:s4+s22], $0x80, s19, s22, $0xb8;
	[tilespmem:$0x1E900] =	vst v63  }
0x47: {  	s11 =	simm.s32 $0x80  }
0x48: {  	[spmem:s2] =	stream.indirect.scatter.add.f32 [tilespmem:s28], [sflag:$0x7], $0x80, s11, s22, $0xb8;
	[tilespmem:$0x1E900] =	vst v63  }
0x49: {  	s31 =	simm.s32 $0x180;
	s9 =	simm.s32 $0x280  }
0x4a: {  	[tilespmem:s20], [sflag:$0x3] =	stream.linear.gather [hbm4b:s16+s3], $0x80, $0x38;
	[tilespmem:$0x1E900] =	vst v63  }
.LBB2_2:
0x4b: {  	p0 =	seq.s32 s9, $0x2880  }
0x4c: {  	s10 =	sadd.s32 @!p0 $0xFFFFFF80, s9  }
0x4d: {  	s11 =	sand.u32 @!p0 $0x7C00, s10  }
0x4e: {  	s10 =	sand.u32 @!p0 $0x300, s10;
	s11 =	sadd.s32 @!p0 s6, s11  }
0x4f: {  	_ =	swait.ge [sflag:s25], $0x3E80;
	s10 =	sor.u32 @!p0 s10, s11  }
0x50: {  	[sflag:s25] =	ssyncset.done $0x0;
	s7 =	simm.s32 @!p0 $0x2800;
	s10 =	sshrl.u32 @!p0 s10, $0x3  }
0x51: {  	[sflag:s25] =	ssyncadd.s32 $0xFFFFC180;
	s11 =	simm.s32 @!p0 $0x0;
	s10 =	sadd.s32 @!p0 s5, s10  }
0x52: {  	[tilespmem:s7], [sflag:$0x2] =	stream.linear.gather @!p0 [hbm4b:s10+s11], $0x80, $0x38;
	[tilespmem:$0x1E900] =	vst v63  }
0x53: {  	_ =	swait.ge [sflag:s26], $0x80  }
0x54: {  	[sflag:s26] =	ssyncset.done $0x0  }
0x55: {  	[sflag:s26] =	ssyncadd.s32 $0xFFFFFF80  }
0x56: {  	_ =	swait.ge [sflag:s0], $0x3E80  }
0x57: {  	[sflag:s0] =	ssyncset.done $0x0  }
0x58: {  	[sflag:s0] =	ssyncadd.s32 $0xFFFFC180  }
0x59: {  	[tilespmem:s28], [sflag:$0x5] =	stream.indirect.gather [hbm4b:s4+s22], $0x80, s20, s22, $0xb8;
	[tilespmem:$0x1E900] =	vst v63  }
0x5a: {  	s11 =	sadd.s32 $0xFFFFFF80, s31  }
0x5b: {  	[spmem:s2] =	stream.indirect.scatter.add.f32 [tilespmem:s23], [sflag:$0x6], $0x80, s11, s22, $0xb8;
	[tilespmem:$0x1E900] =	vst v63  }
0x5c: {  	_ =	swait.ge [sflag:s29], $0x3E80  }
.Ltmp2:
0x5d: {  	[sflag:s29] =	ssyncset.done $0x0;
	(pc) =	sbr.rel @p0 .LBB2_4-.Ltmp2, $4  }
0x5e: {  	[sflag:s29] =	ssyncadd.s32 $0xFFFFC180  }
0x5f: {  	_ =	swait.ge [sflag:s30], $0x3E80  }
0x60: {  	[sflag:s30] =	ssyncset.done $0x0  }
0x61: {  	[sflag:s30] =	ssyncadd.s32 $0xFFFFC180  }
0x62: {  	_ =	swait.ge [sflag:s21], $0x80  }
0x63: {  	s7 =	sand.u32 $0x7C00, s9;
	[sflag:s21] =	ssyncset.done $0x0  }
0x64: {  	s10 =	sand.u32 $0x380, s9;
	s7 =	sadd.s32 s6, s7;
	[sflag:s21] =	ssyncadd.s32 $0xFFFFFF80  }
0x65: {  	[tilespmem:s23], [sflag:$0x4] =	stream.indirect.gather [hbm4b:s4+s22], $0x80, s19, s22, $0xb8;
	[tilespmem:$0x1E900] =	vst v63  }
.Ltmp3:
0x66: {  	s7 =	sor.u32 s10, s7;
	(pc) =	sbr.rel .LBB2_2-.Ltmp3, $4  }
0x67: {  	s7 =	sshrl.u32 s7, $0x3  }
0x68: {  	[spmem:s2] =	stream.indirect.scatter.add.f32 [tilespmem:s28], [sflag:$0x7], $0x80, s31, s22, $0xb8;
	[tilespmem:$0x1E900] =	vst v63  }
0x69: {  	s9 =	sadd.s32 $0x100, s9;
	s7 =	sadd.s32 s5, s7;
	s31 =	sadd.s32 $0x100, s31  }
0x6a: {  	[tilespmem:s20], [sflag:$0x3] =	stream.linear.gather [hbm4b:s7+s3], $0x80, $0x38;
	[tilespmem:$0x1E900] =	vst v63  }
.LBB2_5:
0x6b: {  	_ =	sfence.sel $0x180000  }
0x6c: {  	[bflag:$0x0] =	sbarrier.arrive $0xFFFF  }
0x6d: {  	_ =	strace $0x9000004A  }
0x6e: {  	s0 =	stileid.u32;
	[bflag:$0x2] =	sbarrier.arrive $0xFFFF  }
0x6f: {  	p0 =	sne.s32 s0, $0x0;
	s0 =	rddreg [dreg:$0x2]  }
0x70: {  	s0 =	sadd.s32 @!p0 $0x100000, s0  }
0x71: {  	[sflag:s0] =	ssyncadd.tile.s32 @!p0 $0x1;
	_ =	shalt  }
.Lfunc_end2:
_tile_overlayer_lowered:
.L_overlay_start_2:
0x72: {  	(tag) =	ssettag $0x2  }
0x73: {  	s0 =	rddreg [dreg:$0x0];
	s2 =	stileid.u32  }
0x74: {  	s1 =	rddreg [dreg:$0x1];
	p0 =	sne.s32 s2, $0x0  }
0x75: {  	s3 =	rddreg [dreg:$0x2];
	[bflag:$0x3] =	sbarrier.arrive $0xFFFF;
	s2 =	simm.s32 @!p0 $0x1C08  }
0x76: {  	[timem:s3], [sflag:s2] =	dma.local @!p0 [hbm:s0], s1  }
0x77: {  	s0 =	simm.s32 @!p0 $0x8  }
0x78: {  	_ =	swait.ge @!p0 [sflag:s0], s1  }
0x79: {  	s1 =	ssub.s32 @!p0 $0x0, s1;
	[sflag:s0] =	ssyncset.done @!p0 $0x0  }
0x7a: {  	[sflag:s0] =	ssyncadd.s32 @!p0 s1  }
0x7b: {  	[bflag:$0x3] =	sbarrier.arrive $0xFFFF  }
0x7c: {  	_ =	shalt  }

// kernel: kernel.14.cloned.1.call-start
scs
__scs_entry_jumppad:
0x0: {  	(pc) =	sbr.rel $0x88, $3  }
0x1: {  	(tag) =	ssettag $0x0;
	lr =	simm.s32 $0x1  }
0x2: {  	[smem:$0x3F99] =	sst lr;
	_ =	strace $0xD0000000  }
0x3: {  	_ = 	snop  }
0x4: {  	_ = 	snop  }
0x5: {  	_ = 	snop  }
0x6: {  	_ = 	snop  }
0x7: {  	_ = 	snop  }
__scs_overlays_trampoline_lowered:
0x8: {  	[smem:$0x3FA8] =	sst s0  }
0x9: {  	[smem:$0x3FA9] =	sst s1  }
0xa: {  	[smem:$0x3FAA] =	sst s2  }
0xb: {  	[smem:$0x3FAB] =	sst s3  }
0xc: {  	[smem:$0x3FAC] =	sst s4  }
0xd: {  	[smem:$0x3FAD] =	sst s5  }
0xe: {  	[smem:$0x3FAE] =	sst s6  }
0xf: {  	[smem:$0x3FAF] =	sst s7  }
0x10: {  	[smem:$0x3FB0] =	sst s8  }
0x11: {  	[smem:$0x3FB1] =	sst s9;
	s0 =	simm.s32 @!p0 $0x0  }
0x12: {  	s1 =	sld [smem:$0x3F97];
	s0 =	simm.s32 @p0 $0x1  }
0x13: {  	[smem:$0x3FB2] =	sst s0;
	s0 =	simm.s32 @!p1 $0x0  }
0x14: {  	s2 =	sld [smem:$0x3F96];
	s0 =	simm.s32 @p1 $0x1  }
0x15: {  	[smem:$0x3FB3] =	sst s0;
	s0 =	simm.s32 @!p2 $0x0  }
0x16: {  	s3 =	sld [smem:$0x3FDB];
	s0 =	simm.s32 @p2 $0x1  }
0x17: {  	s4 =	simm.s32 $0x1BF5;
	[smem:$0x3FB5] =	sst s0  }
0x18: {  	s0 =	sld [smem:$0x3F98];
	_ =	swait.ge [sflag:s4], $0x0  }
0x19: {  	s7 =	sld [smem:$0x3F99]  }
0x1a: {  	s8 =	sadd.s32 $0xFFFFE003, lr  }
0x1b: {  	s9 =	sadd.s32 $0xFFFFFEF7, lr;
	s5 =	simm.s32 $0xFFFFFFFF;
	p2 =	slt.u32 s8, $0xFFFFF086  }
0x1c: {  	p1 =	slt.u32 s9, $0xF7A;
	s5 =	simm.s32 @!p2 $0x0  }
0x1d: {  	s5 =	simm.s32 @p1 $0x1;
	p0 =	seq.s32 s7, s2  }
0x1e: {  	s7 =	smul.u32 @!p0 $0xF7A, s2;
	p2 =	seq.s32 @!p0 s5, $0x0  }
0x1f: {  	s9 =	smul.u32 $0xF7A, s1;
	s8 =	simm.s32 @!p0 $0x1BF5;
	p2 =	por !p2, p0  }
0x20: {  	[sflag:s8] =	ssyncset.s32 @!p0 $0xFFFFF086;
	s6 =	sadd.s32 @!p0 s3, s7;
	s7 =	simm.s32 @!p0 $0x108  }
0x21: {  	s3 =	sadd.s32 s3, s9;
	s6 =	sadd.s32 @!p0 $0x88, s6;
	s7 =	simm.s32 @p2 $0x1082  }
0x22: {  	[simem:s7], [sflag:s8] =	dma.local @!p0 [hbm:s6], $0xF7A  }
0x23: {  	s9 =	sor.u32 $0xD0000000, s2;
	s6 =	simm.s32 $0x108;
	_ =	swait.ge @!p0 [sflag:s8], $0x0  }
0x24: {  	s3 =	sadd.s32 $0x88, s3;
	s6 =	simm.s32 @!p1 $0x1082;
	[sflag:s4] =	ssyncset.s32 $0xFFFFF086  }
0x25: {  	[simem:s6], [sflag:s4] =	dma.local [hbm:s3], $0xF7A  }
0x26: {  	[smem:$0x3F99] =	sst s1;
	(tag) =	ssettag s2;
	_ =	strace s9  }
0x27: {  	s1 =	sld [smem:$0x3FA9]  }
0x28: {  	s2 =	sld [smem:$0x3FAA]  }
0x29: {  	s4 =	sld [smem:$0x3FAC]  }
0x2a: {  	p0 =	seq.s32 s5, $0x0;
	s5 =	sld [smem:$0x3FAD]  }
0x2b: {  	s6 =	sld [smem:$0x3FAE]  }
0x2c: {  	s7 =	sld [smem:$0x3FAF]  }
0x2d: {  	s3 =	simm.s32 $0x108;
	s8 =	sld [smem:$0x3FB0]  }
0x2e: {  	s3 =	simm.s32 @!p0 $0x1082;
	s9 =	sld [smem:$0x3FB1]  }
0x2f: {  	lr =	sadd.s32 s0, s3;
	s0 =	sld [smem:$0x3FA8]  }
0x30: {  	s3 =	sld [smem:$0x3FAB]  }
0x31: {  	[smem:$0x3FB4] =	sst s10  }
0x32: {  	s10 =	sld [smem:$0x3FB2];
	_ =	sdelay $0x3  }
0x33: {  	p0 =	seq.s32 s10, $0x1;
	s10 =	sld [smem:$0x3FB4];
	_ =	sdelay $0x3  }
0x34: {  	[smem:$0x3FB4] =	sst s10  }
0x35: {  	s10 =	sld [smem:$0x3FB3];
	_ =	sdelay $0x3  }
0x36: {  	p1 =	seq.s32 s10, $0x1;
	s10 =	sld [smem:$0x3FB4];
	_ =	sdelay $0x3  }
0x37: {  	[smem:$0x3FB4] =	sst s10  }
0x38: {  	s10 =	sld [smem:$0x3FB5]  }
0x39: {  	_ = 	snop;
	(pc) =	sbr.ind lr, $3  }
0x3a: {  	_ = 	snop  }
0x3b: {  	_ = 	snop  }
0x3c: {  	p2 =	seq.s32 s10, $0x1;
	s10 =	sld [smem:$0x3FB4]  }
0x3d: {  	_ =	shalt  }
0x3e: {  	_ =	shalt  }
0x3f: {  	_ =	shalt  }
0x40: {  	_ =	shalt  }
0x41: {  	_ =	shalt  }
0x42: {  	_ =	shalt  }
0x43: {  	_ =	shalt  }
0x44: {  	_ =	shalt  }
0x45: {  	_ =	shalt  }
0x46: {  	_ =	shalt  }
0x47: {  	_ =	shalt  }
0x48: {  	_ =	shalt  }
0x49: {  	_ =	shalt  }
0x4a: {  	_ =	shalt  }
0x4b: {  	_ =	shalt  }
0x4c: {  	_ =	shalt  }
0x4d: {  	_ =	shalt  }
0x4e: {  	_ =	shalt  }
0x4f: {  	_ =	shalt  }
0x50: {  	_ =	shalt  }
0x51: {  	_ =	shalt  }
0x52: {  	_ =	shalt  }
0x53: {  	_ =	shalt  }
0x54: {  	_ =	shalt  }
0x55: {  	_ =	shalt  }
0x56: {  	_ =	shalt  }
0x57: {  	_ =	shalt  }
0x58: {  	_ =	shalt  }
0x59: {  	_ =	shalt  }
0x5a: {  	_ =	shalt  }
0x5b: {  	_ =	shalt  }
0x5c: {  	_ =	shalt  }
0x5d: {  	_ =	shalt  }
0x5e: {  	_ =	shalt  }
0x5f: {  	_ =	shalt  }
0x60: {  	_ =	shalt  }
0x61: {  	_ =	shalt  }
0x62: {  	_ =	shalt  }
0x63: {  	_ =	shalt  }
0x64: {  	_ =	shalt  }
0x65: {  	_ =	shalt  }
0x66: {  	_ =	shalt  }
0x67: {  	_ =	shalt  }
0x68: {  	_ =	shalt  }
0x69: {  	_ =	shalt  }
0x6a: {  	_ =	shalt  }
0x6b: {  	_ =	shalt  }
0x6c: {  	_ =	shalt  }
0x6d: {  	_ =	shalt  }
0x6e: {  	_ =	shalt  }
0x6f: {  	_ =	shalt  }
0x70: {  	_ =	shalt  }
0x71: {  	_ =	shalt  }
0x72: {  	_ =	shalt  }
0x73: {  	_ =	shalt  }
0x74: {  	_ =	shalt  }
0x75: {  	_ =	shalt  }
0x76: {  	_ =	shalt  }
0x77: {  	_ =	shalt  }
0x78: {  	_ =	shalt  }
0x79: {  	_ =	shalt  }
0x7a: {  	_ =	shalt  }
0x7b: {  	_ =	shalt  }
0x7c: {  	_ =	shalt  }
0x7d: {  	_ =	shalt  }
0x7e: {  	_ =	shalt  }
0x7f: {  	_ =	shalt  }
0x80: {  	_ =	shalt  }
0x81: {  	_ =	shalt  }
0x82: {  	_ =	shalt  }
0x83: {  	_ =	shalt  }
0x84: {  	_ =	shalt  }
0x85: {  	_ =	shalt  }
0x86: {  	_ =	shalt  }
0x87: {  	_ =	shalt  }
.Lfunc_end0:
.L_simem_size_0:
called_computation.2_lowered:
.L_overlay_start_0:
0x88: {  	s2 =	sld [smem:$0x3FD9]  }
0x89: {  	s3 =	sld [smem:$0x3FFE];
	_ =	sdelay $0x1  }
0x8a: {  	s1 =	srdreg.scid  }
0x8b: {  	s0 =	sand.u32 $0x1, s1  }
0x8c: {  	s16 =	sshll.u32 s0, $0xA;
	s2 =	sadd.s32 s3, s2  }
0x8d: {  	s2 =	sadd.s32 s2, s16  }
0x8e: {  	[smem:$0x3FC0] =	sst s2  }
0x8f: {  	_ = 	snop  }
0x90: {  	(tm) =	ssettm $0x1  }
0x91: {  	s17 =	sld [smem:$0x3FFB];
	_ =	sdelay $0x3  }
0x92: {  	_ =	strace s17  }
0x93: {  	s2 =	sld [smem:$0x3FFC];
	_ =	sdelay $0x3  }
0x94: {  	_ =	strace s2  }
0x95: {  	s2 =	sld [smem:$0x3FFD];
	_ =	sdelay $0x3  }
0x96: {  	_ =	strace s2  }
0x97: {  	_ =	strace $0x8FFFFFFF  }
0x98: {  	s18 =	sld [smem:$0x3FDB];
	_ =	sdelay $0x1  }
0x99: {  	s19 =	simm.s32 $_scs_section_size  }
0x9a: {  	s4 =	simm.s32 $_size__tile_overlayer_lowered;
	s5 =	simm.s32 $_tile_overlayer_lowered  }
0x9b: {  	s22 =	simm.s32 $0x1BFF;
	s21 =	sshll.u32 s5, $0x1;
	s2 =	sadd.s32 s19, s18  }
0x9c: {  	s6 =	simm.s32 $0x0;
	s20 =	sshll.u32 s4, $0x1;
	s4 =	sadd.s32 s21, s2  }
0x9d: {  	[timem:s6], [sflag:s22] =	dma.local [hbm:s4], s20  }
0x9e: {  	_ =	swait.ge [sflag:s22], s20  }
0x9f: {  	s3 =	ssub.s32 $0x0, s20;
	[sflag:s22] =	ssyncset.done $0x0  }
0xa0: {  	[sflag:s22] =	ssyncadd.s32 s3;
	_ =	sdelay $0x1  }
0xa1: {  	s23 =	simm.s32 $0x1B8B  }
0xa2: {  	_ =	swait.ge [sflag:s23], $0x1  }
0xa3: {  	[sflag:s23] =	ssyncset.done $0x0  }
0xa4: {  	s25 =	simm.s32 $0x1B8E;
	s24 =	sld [smem:$0x3FFE];
	[sflag:s23] =	ssyncadd.s32 $0xFFFFFFFF  }
0xa5: {  	s26 =	simm.s32 $execute0_lowered;
	[smem:$0x3FD2] =	sst s25  }
0xa6: {  	s4 =	sshll.u32 s26, $0x1;
	_ =	strace $0x8000004C;
	[dreg:$0x1] =	wrdreg $0xFFFFFFFF  }
0xa7: {  	s28 =	simm.s32 $_size_execute0_lowered;
	s2 =	sadd.s32 s2, s4;
	[dreg:$0x0] =	wrdreg $0x0  }
0xa8: {  	s4 =	sshll.u32 s28, $0x1;
	[dreg:$0x2] =	wrdreg s2  }
0xa9: {  	[dreg:$0x3] =	wrdreg s4  }
0xaa: {  	[dreg:$0x4] =	wrdreg $0xC0  }
0xab: {  	_ =	task [dreg:s6], $0x5FFFF  }
0xac: {  	[dreg:$0x1] =	wrdreg $0xFFFFFFFF  }
0xad: {  	[dreg:$0x0] =	wrdreg $0x60  }
0xae: {  	[dreg:$0x2] =	wrdreg s24  }
0xaf: {  	[dreg:$0x3] =	wrdreg $0xA9000  }
0xb0: {  	[dreg:$0x4] =	wrdreg $0x9  }
0xb1: {  	_ =	task.clear_ibuf [dreg:s6], $0x5FFFF;
	_ =	strace $0x9000004C  }
0xb2: {  	s29 =	simm.s32 $0x9;
	_ =	strace $0x8000004E  }
0xb3: {  	_ =	swait.ge [sflag:s29], $0x1  }
0xb4: {  	[sflag:s29] =	ssyncadd.s32 $0xFFFFFFFF  }
0xb5: {  	_ =	strace $0x9000004E  }
0xb6: {  	_ =	sfence  }
0xb7: {  	s30 =	sld [smem:$0x0];
	_ =	sdelay $0x2  }
0xb8: {  	s31 =	sshll.u32 s1, $0xD;
	s1 =	sshrl.u32 s1, $0x2  }
0xb9: {  	s3 =	sand.u32 $0x4000, s31;
	s1 =	sadd.s32 s1, s30  }
0xba: {  	s0 =	sor.u32 s3, s0;
	s1 =	sshll.u32 s1, $0x11  }
0xbb: {  	s0 =	sor.u32 s1, s0  }
0xbc: {  	s0 =	sadd.s32 $0x8F2B, s0  }
0xbd: {  	[sflag:s0] =	ssyncadd.remote.s32 $0x1  }
0xbe: {  	_ =	sfence.sel $0xFFFF  }
0xbf: {  	[dreg:$0x0] =	wrdreg $0xFFFFFFFF;
	(pc) =	sbr.abs _section_cstart, $3  }
0xc0: {  	[dreg:$0x1] =	wrdreg $0xFFFFFFFF  }
0xc1: {  	_ =	task.clear_ibuf [dreg:s6], $0x2FFFF;
	_ =	strace $0x9FFFFFFF  }
0xc2: {  	(tm) =	ssettm $0x7FFFFFFF  }
0xc3: {  	_ =	shalt  }
tec
execute0_lowered:
.L_overlay_start_1:
0x0: {  	(tag) =	ssettag $0x1  }
0x1: {  	s0 =	rddreg [dreg:$0x0]  }
0x2: {  	s2 =	rddreg [dreg:$0x1];
	s3 =	simm.s32 $0x0  }
0x3: {  	s11 =	stileid.u32;
	s1 =	srdreg.scid;
	s18 =	simm.s32 $0x8  }
0x4: {  	s19 =	simm.s32 $0x2800;
	s20 =	simm.s32 $0x2880;
	s21 =	simm.s32 $0x2  }
0x5: {  	s28 =	simm.s32 $0x6900;
	s29 =	simm.s32 $0x5;
	s30 =	simm.s32 $0x6  }
0x6: {  	[smem:$0x7FF] =	sst s3;
	s6 =	smul.u32 $0x14000, s11;
	s1 =	sand.u32 $0x1, s1  }
0x7: {  	s4 =	sadd.s32 $0x16C00, s0;
	s5 =	sadd.s32 $0x2C00, s0;
	s22 =	smul.u32 $0x50000, s11  }
0x8: {  	s26 =	sshll.u32 s11, $0x6;
	_ =	strace $0x8000004D;
	s7 =	smul.u32 $0x140000, s1  }
0x9: {  	s9 =	sshll.u32 s1, $0x4;
	s1 =	ssub.s32 $0x2, s1;
	[dreg:$0x3] =	wrdreg s26  }
0xa: {  	s8 =	sshrl.u32 s6, $0x3;
	s9 =	sor.u32 s11, s9;
	s24 =	sshrl.u32 s1, $0x1  }
0xb: {  	s6 =	sadd.s32 s6, s7;
	s23 =	sadd.s32 s8, s0;
	s1 =	ssub.s32 s1, s24  }
0xc: {  	s7 =	sshrl.u32 s22, $0x2;
	s22 =	simm.s32 $0x7D;
	s24 =	simm.s32 $0x1  }
0xd: {  	s10 =	sshrl.u32 s6, $0x3;
	s6 =	smul.u32 $0x2800, s9;
	s17 =	sadd.s32 s7, s2  }
0xe: {  	s9 =	sadd.s32 $0x3DE00, s23;
	s7 =	sor.u32 $0x1C01, s26;
	s14 =	smax.u32 s1, $0x1  }
0xf: {  	s23 =	simm.s32 $0x2900;
	s26 =	simm.s32 $0x3;
	s1 =	simm.s32 $0x0  }
.Ltmp0:
0x10: {  	s0 =	sadd.s32 s10, s0;
	[dreg:$0x4] =	wrdreg s9;
	(pc) =	sbr.rel .LBB2_1-.Ltmp0, $4  }
0x11: {  	[dreg:$0x5] =	wrdreg s7;
	s17 =	sshrl.u32 s17, $0x3;
	s25 =	sshrl.u32 s6, $0x3  }
0x12: {  	s13 =	sadd.s32 $0x65E00, s0;
	s0 =	simm.s32 $0x7;
	s8 =	sadd.s32 s5, s25  }
0x13: {  	s25 =	simm.s32 $0x4;
	s31 =	sadd.s32 $0xA000, s8;
	s12 =	sadd.s32 $0x10, s8  }
0x14: {  	s15 =	sadd.s32 $0x20, s8;
	s16 =	sadd.s32 $0x30, s8;
	[dreg:$0x6] =	wrdreg s31  }
.LBB2_4:
0x15: {  	[spmem:s2] =	stream.indirect.scatter.add.f32 [tilespmem:s28], [sflag:$0x7], $0x80, s31, s22, $0xb8;
	[tilespmem:$0x1E900] =	vst v63  }
0x16: {  	_ =	swait.ge [sflag:s0], $0x3E80  }
0x17: {  	[sflag:s0] =	ssyncset.done $0x0  }
0x18: {  	[sflag:s0] =	ssyncadd.s32 $0xFFFFC180  }
0x19: {  	s1 =	sadd.s32 $0x1, s1;
	[bflag:$0x0] =	sbarrier.arrive $0xFFFF  }
0x1a: {  	p0 =	sne.s32 s1, s14;
	s7 =	rddreg [dreg:$0x3]  }
.Ltmp1:
0x1b: {  	s7 =	sor.u32 $0x1C08, s7;
	(pc) =	sbr.rel @!p0 .LBB2_5-.Ltmp1, $4  }
0x1c: {  	[hbm:s13], [sflag:s7] =	dma.local [spmem:s17], $0x2800  }
0x1d: {  	_ =	swait.ge [sflag:s18], $0x2800  }
0x1e: {  	[sflag:s18] =	ssyncset.done $0x0  }
0x1f: {  	[sflag:s18] =	ssyncadd.s32 $0xFFFFD800  }
.LBB2_1:
0x20: {  	s7 =	rddreg [dreg:$0x4]  }
0x21: {  	s9 =	rddreg [dreg:$0x5]  }
0x22: {  	[spmem:s17], [sflag:s9] =	dma.local [hbm:s7], $0x2800  }
0x23: {  	s7 =	rddreg [dreg:$0x6]  }
0x24: {  	[tilespmem:s3], [sflag:$0x8] =	stream.linear.gather [hbm4b:s7+s3], $0x2800, $0x38;
	[tilespmem:$0x1E900] =	vst v63  }
0x25: {  	_ =	swait.ge [sflag:s18], $0x2800  }
0x26: {  	[sflag:s18] =	ssyncset.done $0x0  }
0x27: {  	[sflag:s18] =	ssyncadd.s32 $0xFFFFD800  }
0x28: {  	[tilespmem:s19], [sflag:$0x2] =	stream.linear.gather [hbm4b:s8+s3], $0x80, $0x38;
	[tilespmem:$0x1E900] =	vst v63  }
0x29: {  	_ = 	snop  }
0x2a: {  	[tilespmem:s20], [sflag:$0x3] =	stream.linear.gather [hbm4b:s12+s3], $0x80, $0x38;
	[tilespmem:$0x1E900] =	vst v63  }
0x2b: {  	_ =	swait.ge [sflag:s21], $0x80  }
0x2c: {  	[sflag:s21] =	ssyncset.done $0x0  }
0x2d: {  	[sflag:s21] =	ssyncadd.s32 $0xFFFFFF80  }
0x2e: {  	[tilespmem:s23], [sflag:$0x4] =	stream.indirect.gather [hbm4b:s4+s22], $0x80, s19, s22, $0xb8;
	[tilespmem:$0x1E900] =	vst v63  }
0x2f: {  	_ =	swait.ge [sflag:s24], $0x2800  }
0x30: {  	[sflag:s24] =	ssyncset.done $0x0  }
0x31: {  	[sflag:s24] =	ssyncadd.s32 $0xFFFFD800  }
0x32: {  	[bflag:$0x0] =	sbarrier.arrive $0xFFFF  }
0x33: {  	_ =	swait.ge [sflag:s25], $0x3E80  }
0x34: {  	[sflag:s25] =	ssyncset.done $0x0  }
0x35: {  	[sflag:s25] =	ssyncadd.s32 $0xFFFFC180  }
0x36: {  	[tilespmem:s19], [sflag:$0x2] =	stream.linear.gather [hbm4b:s15+s3], $0x80, $0x38;
	[tilespmem:$0x1E900] =	vst v63  }
0x37: {  	_ =	swait.ge [sflag:s26], $0x80  }
0x38: {  	[sflag:s26] =	ssyncset.done $0x0  }
0x39: {  	[sflag:s26] =	ssyncadd.s32 $0xFFFFFF80  }
0x3a: {  	[tilespmem:s28], [sflag:$0x5] =	stream.indirect.gather [hbm4b:s4+s22], $0x80, s20, s22, $0xb8;
	[tilespmem:$0x1E900] =	vst v63  }
0x3b: {  	_ = 	snop  }
0x3c: {  	[spmem:s2] =	stream.indirect.scatter.add.f32 [tilespmem:s23], [sflag:$0x6], $0x80, s3, s22, $0xb8;
	[tilespmem:$0x1E900] =	vst v63  }
0x3d: {  	_ =	swait.ge [sflag:s29], $0x3E80  }
0x3e: {  	[sflag:s29] =	ssyncset.done $0x0  }
0x3f: {  	[sflag:s29] =	ssyncadd.s32 $0xFFFFC180  }
0x40: {  	_ =	swait.ge [sflag:s30], $0x3E80  }
0x41: {  	[sflag:s30] =	ssyncset.done $0x0  }
0x42: {  	[sflag:s30] =	ssyncadd.s32 $0xFFFFC180  }
0x43: {  	_ =	swait.ge [sflag:s21], $0x80  }
0x44: {  	[sflag:s21] =	ssyncset.done $0x0  }
0x45: {  	[sflag:s21] =	ssyncadd.s32 $0xFFFFFF80  }
0x46: {  	[tilespmem:s23], [sflag:$0x4] =	stream.indirect.gather [hbm4b:s4+s22], $0x80, s19, s22, $0xb8;
	[tilespmem:$0x1E900] =	vst v63  }
0x47: {  	s11 =	simm.s32 $0x80  }
0x48: {  	[spmem:s2] =	stream.indirect.scatter.add.f32 [tilespmem:s28], [sflag:$0x7], $0x80, s11, s22, $0xb8;
	[tilespmem:$0x1E900] =	vst v63  }
0x49: {  	s31 =	simm.s32 $0x180;
	s9 =	simm.s32 $0x280  }
0x4a: {  	[tilespmem:s20], [sflag:$0x3] =	stream.linear.gather [hbm4b:s16+s3], $0x80, $0x38;
	[tilespmem:$0x1E900] =	vst v63  }
.LBB2_2:
0x4b: {  	p0 =	seq.s32 s9, $0x2880  }
0x4c: {  	s10 =	sadd.s32 @!p0 $0xFFFFFF80, s9  }
0x4d: {  	s11 =	sand.u32 @!p0 $0x7C00, s10  }
0x4e: {  	s10 =	sand.u32 @!p0 $0x300, s10;
	s11 =	sadd.s32 @!p0 s6, s11  }
0x4f: {  	_ =	swait.ge [sflag:s25], $0x3E80;
	s10 =	sor.u32 @!p0 s10, s11  }
0x50: {  	[sflag:s25] =	ssyncset.done $0x0;
	s7 =	simm.s32 @!p0 $0x2800;
	s10 =	sshrl.u32 @!p0 s10, $0x3  }
0x51: {  	[sflag:s25] =	ssyncadd.s32 $0xFFFFC180;
	s11 =	simm.s32 @!p0 $0x0;
	s10 =	sadd.s32 @!p0 s5, s10  }
0x52: {  	[tilespmem:s7], [sflag:$0x2] =	stream.linear.gather @!p0 [hbm4b:s10+s11], $0x80, $0x38;
	[tilespmem:$0x1E900] =	vst v63  }
0x53: {  	_ =	swait.ge [sflag:s26], $0x80  }
0x54: {  	[sflag:s26] =	ssyncset.done $0x0  }
0x55: {  	[sflag:s26] =	ssyncadd.s32 $0xFFFFFF80  }
0x56: {  	_ =	swait.ge [sflag:s0], $0x3E80  }
0x57: {  	[sflag:s0] =	ssyncset.done $0x0  }
0x58: {  	[sflag:s0] =	ssyncadd.s32 $0xFFFFC180  }
0x59: {  	[tilespmem:s28], [sflag:$0x5] =	stream.indirect.gather [hbm4b:s4+s22], $0x80, s20, s22, $0xb8;
	[tilespmem:$0x1E900] =	vst v63  }
0x5a: {  	s11 =	sadd.s32 $0xFFFFFF80, s31  }
0x5b: {  	[spmem:s2] =	stream.indirect.scatter.add.f32 [tilespmem:s23], [sflag:$0x6], $0x80, s11, s22, $0xb8;
	[tilespmem:$0x1E900] =	vst v63  }
0x5c: {  	_ =	swait.ge [sflag:s29], $0x3E80  }
.Ltmp2:
0x5d: {  	[sflag:s29] =	ssyncset.done $0x0;
	(pc) =	sbr.rel @p0 .LBB2_4-.Ltmp2, $4  }
0x5e: {  	[sflag:s29] =	ssyncadd.s32 $0xFFFFC180  }
0x5f: {  	_ =	swait.ge [sflag:s30], $0x3E80  }
0x60: {  	[sflag:s30] =	ssyncset.done $0x0  }
0x61: {  	[sflag:s30] =	ssyncadd.s32 $0xFFFFC180  }
0x62: {  	_ =	swait.ge [sflag:s21], $0x80  }
0x63: {  	s7 =	sand.u32 $0x7C00, s9;
	[sflag:s21] =	ssyncset.done $0x0  }
0x64: {  	s10 =	sand.u32 $0x380, s9;
	s7 =	sadd.s32 s6, s7;
	[sflag:s21] =	ssyncadd.s32 $0xFFFFFF80  }
0x65: {  	[tilespmem:s23], [sflag:$0x4] =	stream.indirect.gather [hbm4b:s4+s22], $0x80, s19, s22, $0xb8;
	[tilespmem:$0x1E900] =	vst v63  }
.Ltmp3:
0x66: {  	s7 =	sor.u32 s10, s7;
	(pc) =	sbr.rel .LBB2_2-.Ltmp3, $4  }
0x67: {  	s7 =	sshrl.u32 s7, $0x3  }
0x68: {  	[spmem:s2] =	stream.indirect.scatter.add.f32 [tilespmem:s28], [sflag:$0x7], $0x80, s31, s22, $0xb8;
	[tilespmem:$0x1E900] =	vst v63  }
0x69: {  	s9 =	sadd.s32 $0x100, s9;
	s7 =	sadd.s32 s5, s7;
	s31 =	sadd.s32 $0x100, s31  }
0x6a: {  	[tilespmem:s20], [sflag:$0x3] =	stream.linear.gather [hbm4b:s7+s3], $0x80, $0x38;
	[tilespmem:$0x1E900] =	vst v63  }
.LBB2_5:
0x6b: {  	_ =	sfence.sel $0x180000  }
0x6c: {  	[bflag:$0x0] =	sbarrier.arrive $0xFFFF  }
0x6d: {  	_ =	strace $0x9000004D  }
0x6e: {  	s0 =	stileid.u32;
	[bflag:$0x2] =	sbarrier.arrive $0xFFFF  }
0x6f: {  	p0 =	sne.s32 s0, $0x0;
	s0 =	rddreg [dreg:$0x2]  }
0x70: {  	s0 =	sadd.s32 @!p0 $0x100000, s0  }
0x71: {  	[sflag:s0] =	ssyncadd.tile.s32 @!p0 $0x1;
	_ =	shalt  }
.Lfunc_end2:
_tile_overlayer_lowered:
.L_overlay_start_2:
0x72: {  	(tag) =	ssettag $0x2  }
0x73: {  	s0 =	rddreg [dreg:$0x0];
	s2 =	stileid.u32  }
0x74: {  	s1 =	rddreg [dreg:$0x1];
	p0 =	sne.s32 s2, $0x0  }
0x75: {  	s3 =	rddreg [dreg:$0x2];
	[bflag:$0x3] =	sbarrier.arrive $0xFFFF;
	s2 =	simm.s32 @!p0 $0x1C08  }
0x76: {  	[timem:s3], [sflag:s2] =	dma.local @!p0 [hbm:s0], s1  }
0x77: {  	s0 =	simm.s32 @!p0 $0x8  }
0x78: {  	_ =	swait.ge @!p0 [sflag:s0], s1  }
0x79: {  	s1 =	ssub.s32 @!p0 $0x0, s1;
	[sflag:s0] =	ssyncset.done @!p0 $0x0  }
0x7a: {  	[sflag:s0] =	ssyncadd.s32 @!p0 s1  }
0x7b: {  	[bflag:$0x3] =	sbarrier.arrive $0xFFFF  }
0x7c: {  	_ =	shalt  }

// kernel: kernel.8.cloned.1.call-start
scs
__scs_entry_jumppad:
0x0: {  	(pc) =	sbr.rel $0x88, $3  }
0x1: {  	(tag) =	ssettag $0x0;
	lr =	simm.s32 $0x1  }
0x2: {  	[smem:$0x3F99] =	sst lr;
	_ =	strace $0xD0000000  }
0x3: {  	_ = 	snop  }
0x4: {  	_ = 	snop  }
0x5: {  	_ = 	snop  }
0x6: {  	_ = 	snop  }
0x7: {  	_ = 	snop  }
__scs_overlays_trampoline_lowered:
0x8: {  	[smem:$0x3FA8] =	sst s0  }
0x9: {  	[smem:$0x3FA9] =	sst s1  }
0xa: {  	[smem:$0x3FAA] =	sst s2  }
0xb: {  	[smem:$0x3FAB] =	sst s3  }
0xc: {  	[smem:$0x3FAC] =	sst s4  }
0xd: {  	[smem:$0x3FAD] =	sst s5  }
0xe: {  	[smem:$0x3FAE] =	sst s6  }
0xf: {  	[smem:$0x3FAF] =	sst s7  }
0x10: {  	[smem:$0x3FB0] =	sst s8  }
0x11: {  	[smem:$0x3FB1] =	sst s9;
	s0 =	simm.s32 @!p0 $0x0  }
0x12: {  	s1 =	sld [smem:$0x3F97];
	s0 =	simm.s32 @p0 $0x1  }
0x13: {  	[smem:$0x3FB2] =	sst s0;
	s0 =	simm.s32 @!p1 $0x0  }
0x14: {  	s2 =	sld [smem:$0x3F96];
	s0 =	simm.s32 @p1 $0x1  }
0x15: {  	[smem:$0x3FB3] =	sst s0;
	s0 =	simm.s32 @!p2 $0x0  }
0x16: {  	s3 =	sld [smem:$0x3FDB];
	s0 =	simm.s32 @p2 $0x1  }
0x17: {  	s4 =	simm.s32 $0x1BF5;
	[smem:$0x3FB5] =	sst s0  }
0x18: {  	s0 =	sld [smem:$0x3F98];
	_ =	swait.ge [sflag:s4], $0x0  }
0x19: {  	s7 =	sld [smem:$0x3F99]  }
0x1a: {  	s8 =	sadd.s32 $0xFFFFE003, lr  }
0x1b: {  	s9 =	sadd.s32 $0xFFFFFEF7, lr;
	s5 =	simm.s32 $0xFFFFFFFF;
	p2 =	slt.u32 s8, $0xFFFFF086  }
0x1c: {  	p1 =	slt.u32 s9, $0xF7A;
	s5 =	simm.s32 @!p2 $0x0  }
0x1d: {  	s5 =	simm.s32 @p1 $0x1;
	p0 =	seq.s32 s7, s2  }
0x1e: {  	s7 =	smul.u32 @!p0 $0xF7A, s2;
	p2 =	seq.s32 @!p0 s5, $0x0  }
0x1f: {  	s9 =	smul.u32 $0xF7A, s1;
	s8 =	simm.s32 @!p0 $0x1BF5;
	p2 =	por !p2, p0  }
0x20: {  	[sflag:s8] =	ssyncset.s32 @!p0 $0xFFFFF086;
	s6 =	sadd.s32 @!p0 s3, s7;
	s7 =	simm.s32 @!p0 $0x108  }
0x21: {  	s3 =	sadd.s32 s3, s9;
	s6 =	sadd.s32 @!p0 $0x88, s6;
	s7 =	simm.s32 @p2 $0x1082  }
0x22: {  	[simem:s7], [sflag:s8] =	dma.local @!p0 [hbm:s6], $0xF7A  }
0x23: {  	s9 =	sor.u32 $0xD0000000, s2;
	s6 =	simm.s32 $0x108;
	_ =	swait.ge @!p0 [sflag:s8], $0x0  }
0x24: {  	s3 =	sadd.s32 $0x88, s3;
	s6 =	simm.s32 @!p1 $0x1082;
	[sflag:s4] =	ssyncset.s32 $0xFFFFF086  }
0x25: {  	[simem:s6], [sflag:s4] =	dma.local [hbm:s3], $0xF7A  }
0x26: {  	[smem:$0x3F99] =	sst s1;
	(tag) =	ssettag s2;
	_ =	strace s9  }
0x27: {  	s1 =	sld [smem:$0x3FA9]  }
0x28: {  	s2 =	sld [smem:$0x3FAA]  }
0x29: {  	s4 =	sld [smem:$0x3FAC]  }
0x2a: {  	p0 =	seq.s32 s5, $0x0;
	s5 =	sld [smem:$0x3FAD]  }
0x2b: {  	s6 =	sld [smem:$0x3FAE]  }
0x2c: {  	s7 =	sld [smem:$0x3FAF]  }
0x2d: {  	s3 =	simm.s32 $0x108;
	s8 =	sld [smem:$0x3FB0]  }
0x2e: {  	s3 =	simm.s32 @!p0 $0x1082;
	s9 =	sld [smem:$0x3FB1]  }
0x2f: {  	lr =	sadd.s32 s0, s3;
	s0 =	sld [smem:$0x3FA8]  }
0x30: {  	s3 =	sld [smem:$0x3FAB]  }
0x31: {  	[smem:$0x3FB4] =	sst s10  }
0x32: {  	s10 =	sld [smem:$0x3FB2];
	_ =	sdelay $0x3  }
0x33: {  	p0 =	seq.s32 s10, $0x1;
	s10 =	sld [smem:$0x3FB4];
	_ =	sdelay $0x3  }
0x34: {  	[smem:$0x3FB4] =	sst s10  }
0x35: {  	s10 =	sld [smem:$0x3FB3];
	_ =	sdelay $0x3  }
0x36: {  	p1 =	seq.s32 s10, $0x1;
	s10 =	sld [smem:$0x3FB4];
	_ =	sdelay $0x3  }
0x37: {  	[smem:$0x3FB4] =	sst s10  }
0x38: {  	s10 =	sld [smem:$0x3FB5]  }
0x39: {  	_ = 	snop;
	(pc) =	sbr.ind lr, $3  }
0x3a: {  	_ = 	snop  }
0x3b: {  	_ = 	snop  }
0x3c: {  	p2 =	seq.s32 s10, $0x1;
	s10 =	sld [smem:$0x3FB4]  }
0x3d: {  	_ =	shalt  }
0x3e: {  	_ =	shalt  }
0x3f: {  	_ =	shalt  }
0x40: {  	_ =	shalt  }
0x41: {  	_ =	shalt  }
0x42: {  	_ =	shalt  }
0x43: {  	_ =	shalt  }
0x44: {  	_ =	shalt  }
0x45: {  	_ =	shalt  }
0x46: {  	_ =	shalt  }
0x47: {  	_ =	shalt  }
0x48: {  	_ =	shalt  }
0x49: {  	_ =	shalt  }
0x4a: {  	_ =	shalt  }
0x4b: {  	_ =	shalt  }
0x4c: {  	_ =	shalt  }
0x4d: {  	_ =	shalt  }
0x4e: {  	_ =	shalt  }
0x4f: {  	_ =	shalt  }
0x50: {  	_ =	shalt  }
0x51: {  	_ =	shalt  }
0x52: {  	_ =	shalt  }
0x53: {  	_ =	shalt  }
0x54: {  	_ =	shalt  }
0x55: {  	_ =	shalt  }
0x56: {  	_ =	shalt  }
0x57: {  	_ =	shalt  }
0x58: {  	_ =	shalt  }
0x59: {  	_ =	shalt  }
0x5a: {  	_ =	shalt  }
0x5b: {  	_ =	shalt  }
0x5c: {  	_ =	shalt  }
0x5d: {  	_ =	shalt  }
0x5e: {  	_ =	shalt  }
0x5f: {  	_ =	shalt  }
0x60: {  	_ =	shalt  }
0x61: {  	_ =	shalt  }
0x62: {  	_ =	shalt  }
0x63: {  	_ =	shalt  }
0x64: {  	_ =	shalt  }
0x65: {  	_ =	shalt  }
0x66: {  	_ =	shalt  }
0x67: {  	_ =	shalt  }
0x68: {  	_ =	shalt  }
0x69: {  	_ =	shalt  }
0x6a: {  	_ =	shalt  }
0x6b: {  	_ =	shalt  }
0x6c: {  	_ =	shalt  }
0x6d: {  	_ =	shalt  }
0x6e: {  	_ =	shalt  }
0x6f: {  	_ =	shalt  }
0x70: {  	_ =	shalt  }
0x71: {  	_ =	shalt  }
0x72: {  	_ =	shalt  }
0x73: {  	_ =	shalt  }
0x74: {  	_ =	shalt  }
0x75: {  	_ =	shalt  }
0x76: {  	_ =	shalt  }
0x77: {  	_ =	shalt  }
0x78: {  	_ =	shalt  }
0x79: {  	_ =	shalt  }
0x7a: {  	_ =	shalt  }
0x7b: {  	_ =	shalt  }
0x7c: {  	_ =	shalt  }
0x7d: {  	_ =	shalt  }
0x7e: {  	_ =	shalt  }
0x7f: {  	_ =	shalt  }
0x80: {  	_ =	shalt  }
0x81: {  	_ =	shalt  }
0x82: {  	_ =	shalt  }
0x83: {  	_ =	shalt  }
0x84: {  	_ =	shalt  }
0x85: {  	_ =	shalt  }
0x86: {  	_ =	shalt  }
0x87: {  	_ =	shalt  }
.Lfunc_end0:
.L_simem_size_0:
called_computation_lowered:
.L_overlay_start_0:
0x88: {  	s2 =	sld [smem:$0x3FD9]  }
0x89: {  	s3 =	sld [smem:$0x3FFE];
	_ =	sdelay $0x1  }
0x8a: {  	s1 =	srdreg.scid  }
0x8b: {  	s0 =	sand.u32 $0x1, s1  }
0x8c: {  	s16 =	sshll.u32 s0, $0xA;
	s2 =	sadd.s32 s3, s2  }
0x8d: {  	s2 =	sadd.s32 s2, s16  }
0x8e: {  	[smem:$0x3FC0] =	sst s2  }
0x8f: {  	_ = 	snop  }
0x90: {  	(tm) =	ssettm $0x1  }
0x91: {  	s17 =	sld [smem:$0x3FFB];
	_ =	sdelay $0x3  }
0x92: {  	_ =	strace s17  }
0x93: {  	s2 =	sld [smem:$0x3FFC];
	_ =	sdelay $0x3  }
0x94: {  	_ =	strace s2  }
0x95: {  	s2 =	sld [smem:$0x3FFD];
	_ =	sdelay $0x3  }
0x96: {  	_ =	strace s2  }
0x97: {  	_ =	strace $0x8FFFFFFF  }
0x98: {  	s18 =	sld [smem:$0x3FDB];
	_ =	sdelay $0x1  }
0x99: {  	s19 =	simm.s32 $_scs_section_size  }
0x9a: {  	s4 =	simm.s32 $_size__tile_overlayer_lowered;
	s5 =	simm.s32 $_tile_overlayer_lowered  }
0x9b: {  	s22 =	simm.s32 $0x1BFF;
	s21 =	sshll.u32 s5, $0x1;
	s2 =	sadd.s32 s19, s18  }
0x9c: {  	s6 =	simm.s32 $0x0;
	s20 =	sshll.u32 s4, $0x1;
	s4 =	sadd.s32 s21, s2  }
0x9d: {  	[timem:s6], [sflag:s22] =	dma.local [hbm:s4], s20  }
0x9e: {  	_ =	swait.ge [sflag:s22], s20  }
0x9f: {  	s3 =	ssub.s32 $0x0, s20;
	[sflag:s22] =	ssyncset.done $0x0  }
0xa0: {  	[sflag:s22] =	ssyncadd.s32 s3;
	_ =	sdelay $0x1  }
0xa1: {  	s23 =	simm.s32 $0x1B8B  }
0xa2: {  	_ =	swait.ge [sflag:s23], $0x1  }
0xa3: {  	[sflag:s23] =	ssyncset.done $0x0  }
0xa4: {  	s25 =	simm.s32 $0x1B8E;
	s24 =	sld [smem:$0x3FFE];
	[sflag:s23] =	ssyncadd.s32 $0xFFFFFFFF  }
0xa5: {  	s26 =	simm.s32 $execute0_lowered;
	[smem:$0x3FD2] =	sst s25  }
0xa6: {  	s4 =	sshll.u32 s26, $0x1;
	_ =	strace $0x80000046;
	[dreg:$0x1] =	wrdreg $0xFFFFFFFF  }
0xa7: {  	s28 =	simm.s32 $_size_execute0_lowered;
	s2 =	sadd.s32 s2, s4;
	[dreg:$0x0] =	wrdreg $0x0  }
0xa8: {  	s4 =	sshll.u32 s28, $0x1;
	[dreg:$0x2] =	wrdreg s2  }
0xa9: {  	[dreg:$0x3] =	wrdreg s4  }
0xaa: {  	[dreg:$0x4] =	wrdreg $0xC0  }
0xab: {  	_ =	task [dreg:s6], $0x5FFFF  }
0xac: {  	[dreg:$0x1] =	wrdreg $0xFFFFFFFF  }
0xad: {  	[dreg:$0x0] =	wrdreg $0x60  }
0xae: {  	[dreg:$0x2] =	wrdreg s24  }
0xaf: {  	[dreg:$0x3] =	wrdreg $0x2B000  }
0xb0: {  	[dreg:$0x4] =	wrdreg $0x9  }
0xb1: {  	_ =	task.clear_ibuf [dreg:s6], $0x5FFFF;
	_ =	strace $0x90000046  }
0xb2: {  	s29 =	simm.s32 $0x9;
	_ =	strace $0x80000048  }
0xb3: {  	_ =	swait.ge [sflag:s29], $0x1  }
0xb4: {  	[sflag:s29] =	ssyncadd.s32 $0xFFFFFFFF  }
0xb5: {  	_ =	strace $0x90000048  }
0xb6: {  	_ =	sfence  }
0xb7: {  	s30 =	sld [smem:$0x0];
	_ =	sdelay $0x2  }
0xb8: {  	s31 =	sshll.u32 s1, $0xD;
	s1 =	sshrl.u32 s1, $0x2  }
0xb9: {  	s3 =	sand.u32 $0x4000, s31;
	s1 =	sadd.s32 s1, s30  }
0xba: {  	s0 =	sor.u32 s3, s0;
	s1 =	sshll.u32 s1, $0x11  }
0xbb: {  	s0 =	sor.u32 s1, s0  }
0xbc: {  	s0 =	sadd.s32 $0x8F2B, s0  }
0xbd: {  	[sflag:s0] =	ssyncadd.remote.s32 $0x1  }
0xbe: {  	_ =	sfence.sel $0xFFFF  }
0xbf: {  	[dreg:$0x0] =	wrdreg $0xFFFFFFFF;
	(pc) =	sbr.abs _section_cstart, $3  }
0xc0: {  	[dreg:$0x1] =	wrdreg $0xFFFFFFFF  }
0xc1: {  	_ =	task.clear_ibuf [dreg:s6], $0x2FFFF;
	_ =	strace $0x9FFFFFFF  }
0xc2: {  	(tm) =	ssettm $0x7FFFFFFF  }
0xc3: {  	_ =	shalt  }
tec
execute0_lowered:
.L_overlay_start_1:
0x0: {  	(tag) =	ssettag $0x1  }
0x1: {  	s4 =	rddreg [dreg:$0x0]  }
0x2: {  	s2 =	rddreg [dreg:$0x1];
	s3 =	srdreg.scid  }
0x3: {  	s0 =	rddreg [dreg:$0x2];
	s1 =	stileid.u32;
	s10 =	simm.s32 $0x1  }
0x4: {  	s11 =	simm.s32 $0x7D;
	s12 =	simm.s32 $0x2800;
	s13 =	simm.s32 $0x80  }
0x5: {  	s14 =	simm.s32 $0x2;
	s15 =	simm.s32 $0x3;
	s18 =	simm.s32 $0x20  }
0x6: {  	s19 =	simm.s32 $0x10;
	s20 =	simm.s32 $0x0;
	s6 =	smul.u32 $0x500, s1  }
0x7: {  	s5 =	sand.u32 $0x1, s3;
	s3 =	simm.s32 $0x0;
	s30 =	smul.u32 $0xA00, s1  }
0x8: {  	s16 =	sshll.u32 s1, $0x6;
	s7 =	sshll.u32 s5, $0x4;
	[smem:$0x7FF] =	sst s3  }
0x9: {  	s8 =	sshll.u32 s5, $0x7;
	s5 =	ssub.s32 $0x2, s5;
	s16 =	sor.u32 $0x1C04, s16  }
0xa: {  	s7 =	sor.u32 s1, s7;
	_ =	strace $0x80000047;
	s6 =	sor.u32 s8, s6  }
0xb: {  	s9 =	sshrl.u32 s5, $0x1;
	s31 =	sshrl.u32 s30, $0x2;
	s7 =	smul.u32 $0x2800, s7  }
0xc: {  	s8 =	simm.s32 $0x2880;
	s6 =	sshrl.u32 s6, $0x3;
	s9 =	ssub.s32 s5, s9  }
0xd: {  	s5 =	sadd.s32 s31, s2;
	s6 =	sadd.s32 s6, s4;
	s7 =	sshrl.u32 s7, $0x3  }
0xe: {  	s17 =	sshrl.u32 s5, $0x3;
	s6 =	sadd.s32 $0x16C00, s6;
	s4 =	sadd.s32 s4, s7  }
0xf: {  	v0 =	vimm.f32 $1.000000000e+00;
	v1 =	vimm.f32 $0.0e+00;
	s7 =	smax.u32 s9, $0x1;
	s9 =	simm.s32 $0x4;
	s4 =	sadd.s32 $0xCC00, s4  }
.LBB2_1:
0x10: {  	[tilespmem:s3], [sflag:$0x1] =	stream.linear.gather [hbm4b:s4+s3], $0x2800, $0x38;
	[tilespmem:$0x2D80] =	vst v63  }
0x11: {  	[tilespmem:$0x2800] =	vst v0  }
0x12: {  	[tilespmem:$0x2810] =	vst v0  }
0x13: {  	[tilespmem:$0x2820] =	vst v0  }
0x14: {  	[tilespmem:$0x2830] =	vst v0  }
0x15: {  	[tilespmem:$0x2840] =	vst v0  }
0x16: {  	[tilespmem:$0x2850] =	vst v0  }
0x17: {  	[tilespmem:$0x2860] =	vst v0  }
0x18: {  	[tilespmem:$0x2870] =	vst v0  }
0x19: {  	[tilespmem:$0x2880] =	vst v1  }
0x1a: {  	[tilespmem:$0x2890] =	vst v1  }
0x1b: {  	[tilespmem:$0x28A0] =	vst v1  }
0x1c: {  	[tilespmem:$0x28B0] =	vst v1  }
0x1d: {  	[tilespmem:$0x28C0] =	vst v1  }
0x1e: {  	[tilespmem:$0x28D0] =	vst v1  }
0x1f: {  	[tilespmem:$0x28E0] =	vst v1  }
0x20: {  	[tilespmem:$0x28F0] =	vst v1  }
0x21: {  	[tilespmem:$0x2900] =	vst v1  }
0x22: {  	[tilespmem:$0x2910] =	vst v1  }
0x23: {  	[tilespmem:$0x2920] =	vst v1  }
0x24: {  	[tilespmem:$0x2930] =	vst v1  }
0x25: {  	[tilespmem:$0x2940] =	vst v1  }
0x26: {  	[tilespmem:$0x2950] =	vst v1  }
0x27: {  	[tilespmem:$0x2960] =	vst v1  }
0x28: {  	[tilespmem:$0x2970] =	vst v1  }
0x29: {  	[tilespmem:$0x2980] =	vst v1  }
0x2a: {  	[tilespmem:$0x2990] =	vst v1  }
0x2b: {  	[tilespmem:$0x29A0] =	vst v1  }
0x2c: {  	[tilespmem:$0x29B0] =	vst v1  }
0x2d: {  	[tilespmem:$0x29C0] =	vst v1  }
0x2e: {  	[tilespmem:$0x29D0] =	vst v1  }
0x2f: {  	[tilespmem:$0x29E0] =	vst v1  }
0x30: {  	[tilespmem:$0x29F0] =	vst v1  }
0x31: {  	[tilespmem:$0x2A00] =	vst v1  }
0x32: {  	[tilespmem:$0x2A10] =	vst v1  }
0x33: {  	[tilespmem:$0x2A20] =	vst v1  }
0x34: {  	[tilespmem:$0x2A30] =	vst v1  }
0x35: {  	[tilespmem:$0x2A40] =	vst v1  }
0x36: {  	[tilespmem:$0x2A50] =	vst v1  }
0x37: {  	[tilespmem:$0x2A60] =	vst v1  }
0x38: {  	[tilespmem:$0x2A70] =	vst v1  }
0x39: {  	[tilespmem:$0x2A80] =	vst v1  }
0x3a: {  	[tilespmem:$0x2A90] =	vst v1  }
0x3b: {  	[tilespmem:$0x2AA0] =	vst v1  }
0x3c: {  	[tilespmem:$0x2AB0] =	vst v1  }
0x3d: {  	[tilespmem:$0x2AC0] =	vst v1  }
0x3e: {  	[tilespmem:$0x2AD0] =	vst v1  }
0x3f: {  	[tilespmem:$0x2AE0] =	vst v1  }
0x40: {  	[tilespmem:$0x2AF0] =	vst v1  }
0x41: {  	[spmem:s5] =	stream.linear.scatter [tilespmem:s8], [sflag:$0x4], $0x280, $0x38;
	[tilespmem:$0x2D80] =	vst v63  }
0x42: {  	_ =	swait.ge [sflag:s9], $0x280  }
0x43: {  	[sflag:s9] =	ssyncset.done $0x0  }
0x44: {  	[sflag:s9] =	ssyncadd.s32 $0xFFFFFD80  }
0x45: {  	_ =	swait.ge [sflag:s10], $0x2800  }
0x46: {  	[sflag:s10] =	ssyncset.done $0x0  }
0x47: {  	[sflag:s10] =	ssyncadd.s32 $0xFFFFD800  }
0x48: {  	[bflag:$0x0] =	sbarrier.arrive $0xFFFF  }
0x49: {  	[spmem:s2] =	stream.indirect.scatter.add.f32 [tilespmem:s12], [sflag:$0x2], $0x1, s3, s11, $0xb8;
	[tilespmem:$0x2D80] =	vst v63  }
0x4a: {  	_ = 	snop  }
0x4b: {  	[spmem:s2] =	stream.indirect.scatter.add.f32 [tilespmem:s12], [sflag:$0x3], $0x1, s13, s11, $0xb8;
	[tilespmem:$0x2D80] =	vst v63  }
0x4c: {  	_ =	swait.ge [sflag:s14], $0x7D  }
0x4d: {  	[sflag:s14] =	ssyncset.done $0x0  }
0x4e: {  	s21 =	simm.s32 $0x100;
	[sflag:s14] =	ssyncadd.s32 $0xFFFFFF83  }
0x4f: {  	[spmem:s2] =	stream.indirect.scatter.add.f32 [tilespmem:s12], [sflag:$0x2], $0x1, s21, s11, $0xb8;
	[tilespmem:$0x2D80] =	vst v63  }
0x50: {  	_ =	swait.ge [sflag:s15], $0x7D  }
0x51: {  	[sflag:s15] =	ssyncset.done $0x0  }
0x52: {  	s22 =	simm.s32 $0x180;
	s21 =	simm.s32 $0xFFFF6800;
	[sflag:s15] =	ssyncadd.s32 $0xFFFFFF83  }
.LBB2_2:
0x53: {  	[spmem:s2] =	stream.indirect.scatter.add.f32 [tilespmem:s12], [sflag:$0x3], $0x1, s22, s11, $0xb8;
	[tilespmem:$0x2D80] =	vst v63  }
0x54: {  	s22 =	smov.u32 s21  }
0x55: {  	p0 =	sne.s32 s21, $0xFFFFFC00;
	s21 =	sadd.s32 $0x400, s21;
	_ =	swait.ge [sflag:s14], $0x7D  }
0x56: {  	s22 =	sshra.s32 s22, $0x2;
	[sflag:s14] =	ssyncset.done $0x0  }
.Ltmp0:
0x57: {  	s23 =	sadd.s32 $0x2800, s22;
	[sflag:s14] =	ssyncadd.s32 $0xFFFFFF83;
	(pc) =	sbr.rel @p0 .LBB2_2-.Ltmp0, $4  }
0x58: {  	[spmem:s2] =	stream.indirect.scatter.add.f32 [tilespmem:s12], [sflag:$0x2], $0x1, s23, s11, $0xb8;
	[tilespmem:$0x2D80] =	vst v63  }
0x59: {  	_ =	swait.ge [sflag:s15], $0x7D  }
0x5a: {  	[sflag:s15] =	ssyncset.done $0x0  }
0x5b: {  	s22 =	sadd.s32 $0x2880, s22;
	[sflag:s15] =	ssyncadd.s32 $0xFFFFFF83  }
0x5c: {  	[spmem:s2] =	stream.indirect.scatter.add.f32 [tilespmem:s12], [sflag:$0x3], $0x1, s22, s11, $0xb8;
	[tilespmem:$0x2D80] =	vst v63  }
0x5d: {  	_ =	swait.ge [sflag:s14], $0x7D  }
0x5e: {  	[sflag:s14] =	ssyncset.done $0x0  }
0x5f: {  	[sflag:s14] =	ssyncadd.s32 $0xFFFFFF83  }
0x60: {  	_ =	swait.ge [sflag:s15], $0x7D  }
0x61: {  	s20 =	sadd.s32 $0x1, s20;
	[sflag:s15] =	ssyncset.done $0x0  }
0x62: {  	p0 =	sne.s32 s20, s7;
	[sflag:s15] =	ssyncadd.s32 $0xFFFFFF83  }
.Ltmp1:
0x63: {  	[bflag:$0x0] =	sbarrier.arrive $0xFFFF;
	(pc) =	sbr.rel @p0 .LBB2_1-.Ltmp1, $4  }
0x64: {  	[hbm:s6@s18], [sflag:s16] =	dma.strided [spmem:s17@s19], $0x50, s10, $0x10   }
0x65: {  	_ =	swait.ge [sflag:s9], $0x50  }
0x66: {  	[sflag:s9] =	ssyncset.done $0x0  }
0x67: {  	[sflag:s9] =	ssyncadd.s32 $0xFFFFFFB0  }
0x68: {  	_ =	sfence.sel $0x180000  }
0x69: {  	[bflag:$0x0] =	sbarrier.arrive $0xFFFF  }
0x6a: {  	p0 =	sne.s32 s1, $0x0;
	_ =	strace $0x90000047  }
0x6b: {  	s0 =	sadd.s32 @!p0 $0x100000, s0;
	[bflag:$0x2] =	sbarrier.arrive $0xFFFF  }
0x6c: {  	[sflag:s0] =	ssyncadd.tile.s32 @!p0 $0x1;
	_ =	shalt  }
.Lfunc_end2:
_tile_overlayer_lowered:
.L_overlay_start_2:
0x6d: {  	(tag) =	ssettag $0x2  }
0x6e: {  	s0 =	rddreg [dreg:$0x0];
	s2 =	stileid.u32  }
0x6f: {  	s1 =	rddreg [dreg:$0x1];
	p0 =	sne.s32 s2, $0x0  }
0x70: {  	s3 =	rddreg [dreg:$0x2];
	[bflag:$0x3] =	sbarrier.arrive $0xFFFF;
	s2 =	simm.s32 @!p0 $0x1C04  }
0x71: {  	[timem:s3], [sflag:s2] =	dma.local @!p0 [hbm:s0], s1  }
0x72: {  	s0 =	simm.s32 @!p0 $0x4  }
0x73: {  	_ =	swait.ge @!p0 [sflag:s0], s1  }
0x74: {  	s1 =	ssub.s32 @!p0 $0x0, s1;
	[sflag:s0] =	ssyncset.done @!p0 $0x0  }
0x75: {  	[sflag:s0] =	ssyncadd.s32 @!p0 s1  }
0x76: {  	[bflag:$0x3] =	sbarrier.arrive $0xFFFF  }
0x77: {  	_ =	shalt  }

</sc_bundles>
